<compile_context>
chip_gen: v7x
topology: tpu7x:2x2x1
jax: 0.10.2.dev20260603
libtpu: 0.0.44.dev20260713+nightly
codegen_flags: <defaults>
</compile_context>

<pallas_src>
import functools

import jax
import jax.numpy as jnp
from jax import lax
from jax.experimental import pallas as pl
from jax.experimental.pallas import tpu as pltpu
from jax.experimental.pallas import tpu_sc as plsc

D_MODEL = 64
SCALE = 8.0

_LANES = 16
_CH = 128


@functools.lru_cache(maxsize=None)
def _build(n_ch_total: int, V: int, D: int):
    info = plsc.get_sparse_core_info()
    NC, NS = info.num_cores, info.num_subcores
    NW = NC * NS
    n_ch_w = n_ch_total // NW
    n_pairs = n_ch_w // 2
    B = n_ch_total * _CH
    mesh = plsc.VectorSubcoreMesh(core_axis_name="c", subcore_axis_name="s")

    @functools.partial(
        pl.kernel,
        out_type=jax.ShapeDtypeStruct((B, D), jnp.float32),
        mesh=mesh,
        compiler_params=pltpu.CompilerParams(use_tc_tiling_on_sc=False),
        scratch_types=[
            pltpu.VMEM((n_ch_w, _CH), jnp.int32),
            pltpu.VMEM((_CH, D), jnp.float32),
            pltpu.VMEM((_CH, D), jnp.float32),
            pltpu.VMEM((_CH, D), jnp.float32),
            pltpu.VMEM((_CH, D), jnp.float32),
            pltpu.SemaphoreType.DMA,
            pltpu.SemaphoreType.DMA,
            pltpu.SemaphoreType.DMA,
            pltpu.SemaphoreType.DMA,
            pltpu.SemaphoreType.DMA,
            pltpu.SemaphoreType.DMA,
            pltpu.SemaphoreType.DMA,
            pltpu.SemaphoreType.DMA,
        ],
    )
    def emb(idx_hbm, table_hbm, out_hbm, idx_v,
            buf0, buf1, buf2, buf3,
            g0, g1, g2, g3, o0, o1, o2, o3):
        wid = lax.axis_index("s") * NC + lax.axis_index("c")
        row0 = wid * n_ch_w
        pltpu.sync_copy(idx_hbm.at[pl.ds(row0, n_ch_w)], idx_v)

        bufs = (buf0, buf1, buf2, buf3)
        gsems = (g0, g1, g2, g3)
        osems = (o0, o1, o2, o3)

        def start_gather(c, b):
            pltpu.async_copy(table_hbm.at[idx_v.at[c]], bufs[b], gsems[b])

        def out_slice(c):
            return out_hbm.at[pl.ds((row0 + c) * _CH, _CH)]

        def scale_and_store(c, b):
            pltpu.make_async_copy(
                table_hbm.at[idx_v.at[c]], bufs[b], gsems[b]).wait()
            buf = bufs[b]

            @plsc.parallel_loop(0, _CH, 1, unroll=4)
            def _(r):
                for j in range(D // _LANES):
                    sl = pl.ds(j * _LANES, _LANES)
                    buf[r, sl] = buf[r, sl] * SCALE

            pltpu.async_copy(buf, out_slice(c), osems[b])

        def wait_out(c, b):
            pltpu.make_async_copy(bufs[b], out_slice(c), osems[b]).wait()

        start_gather(0, 0)
        start_gather(1, 1)
        start_gather(2, 2)
        scale_and_store(0, 0)
        start_gather(3, 3)

        def quad(q, _):
            for t in range(4):
                c = 1 + 4 * q + t
                b = (1 + t) % 4
                scale_and_store(c, b)
                bn = t % 4
                wait_out(c - 1, bn)
                start_gather(c + 3, bn)
            return _

        lax.fori_loop(0, (n_ch_w - 4) // 4, quad, 0)
        for c in range(n_ch_w - 3, n_ch_w):
            scale_and_store(c, c % 4)
        for c in range(n_ch_w - 4, n_ch_w):
            wait_out(c, c % 4)

    return emb


def kernel(x, table):
    B0, B1 = x.shape
    V, D = table.shape
    B = B0 * B1
    n_ch_total = B // _CH
    xf = x.reshape(n_ch_total, _CH).astype(jnp.int32)
    out = _build(n_ch_total, V, D)(xf, table)
    return out.reshape(B0, B1, D)

# --- scband reference (transcript-rebuilt; emitter-appended) ---
"""Pipeline reference for scband-embedding-755914244783 (READ-ONLY COPY).

The authoritative reference and input builder live on the scoring server;
editing this copy changes nothing except your own understanding.
"""

import jax, jax.numpy as jnp
import numpy as np

D_MODEL = 64
VOCAB_SIZE = 1000000

def setup_inputs(seed: int = 0) -> dict:
    key = jax.random.key(seed)
    k1, k2 = jax.random.split(key)
    x = jax.random.randint(k1, (4096, 200), 0, VOCAB_SIZE, dtype=jnp.int64 if jax.config.jax_enable_x64 else jnp.int32)
    table = jax.random.normal(k2, (VOCAB_SIZE, D_MODEL), dtype=jnp.float32) * 0.02
    return {"x": x, "table": table}

def reference(x, table):
    # Embedding lookup scaled by sqrt(d_model), faithful to the keras module
    out = jnp.take(table, x, axis=0) * jnp.sqrt(jnp.asarray(D_MODEL, dtype=jnp.float32))
    return out

if __name__ == "__main__":
    import jax
    _d = setup_inputs()
    print(jax.jit(kernel)(*tuple(_d.values())))

</pallas_src>

<mosaic_0001>
#map = affine_map<(d0, d1) -> (0, 0)>
module attributes {stable_mosaic.version = 14 : i64} {
  func.func @emb(%arg0: i32, %arg1: i32, %arg2: memref<6400x128xi32, #tpu.memory_space<hbm>>, %arg3: memref<1000000x64xf32, #tpu.memory_space<hbm>>, %arg4: memref<819200x64xf32, #tpu.memory_space<hbm>>, %arg5: memref<200x128xi32, #tpu.memory_space<vmem>>, %arg6: memref<128x64xf32, #tpu.memory_space<vmem>>, %arg7: memref<128x64xf32, #tpu.memory_space<vmem>>, %arg8: memref<128x64xf32, #tpu.memory_space<vmem>>, %arg9: memref<128x64xf32, #tpu.memory_space<vmem>>, %arg10: memref<!tpu.dma_semaphore, #tpu.memory_space<semaphore_mem>>, %arg11: memref<!tpu.dma_semaphore, #tpu.memory_space<semaphore_mem>>, %arg12: memref<!tpu.dma_semaphore, #tpu.memory_space<semaphore_mem>>, %arg13: memref<!tpu.dma_semaphore, #tpu.memory_space<semaphore_mem>>, %arg14: memref<!tpu.dma_semaphore, #tpu.memory_space<semaphore_mem>>, %arg15: memref<!tpu.dma_semaphore, #tpu.memory_space<semaphore_mem>>, %arg16: memref<!tpu.dma_semaphore, #tpu.memory_space<semaphore_mem>>, %arg17: memref<!tpu.dma_semaphore, #tpu.memory_space<semaphore_mem>>) attributes {dimension_semantics = [#tpu.dimension_semantics<core_parallel>, #tpu.dimension_semantics<subcore_parallel>], iteration_bounds = array<i64: 2, 16>, scalar_prefetch = 0 : i64, scratch_operands = 13 : i64, tpu.core_type = #tpu.core_type<sc_vector_subcore>, window_params = [{transform_indices = #map}, {transform_indices = #map}, {transform_indices = #map}]} {
    %mul3A = arith.constant 2 : i32
    %mul3A_0 = arith.muli %arg1, %mul3A : i32
    %add3A = arith.addi %mul3A_0, %arg0 : i32
    %mul3A_1 = arith.constant 200 : i32
    %mul3A_2 = arith.muli %add3A, %mul3A_1 : i32
    "tpu.region"() ({
      %run_scoped3A = tpu.sem_alloc : memref<!tpu.dma_semaphore, #tpu.memory_space<semaphore_mem>>
      %dma_start3A_137 = arith.constant 0 : i32
      %dma_start3A_138 = tpu.memref_slice %arg2[%mul3A_2, %dma_start3A_137] : memref<6400x128xi32, #tpu.memory_space<hbm>> -> memref<200x128xi32, #tpu.memory_space<hbm>>
      %dma_start3A_139 = arith.constant 0 : i32
      %dma_start3A_140 = tpu.memref_slice %arg2[%mul3A_2, %dma_start3A_139] : memref<6400x128xi32, #tpu.memory_space<hbm>> -> memref<200x128xi32, #tpu.memory_space<hbm>>
      tpu.enqueue_dma source(%dma_start3A_140 : memref<200x128xi32, #tpu.memory_space<hbm>>) target(%arg5 : memref<200x128xi32, #tpu.memory_space<vmem>>) target_semaphore(%run_scoped3A : memref<!tpu.dma_semaphore, #tpu.memory_space<semaphore_mem>>)
      %dma_wait3A_141 = arith.constant 0 : i32
      %dma_wait3A_142 = tpu.memref_slice %arg2[%mul3A_2, %dma_wait3A_141] : memref<6400x128xi32, #tpu.memory_space<hbm>> -> memref<200x128xi32, #tpu.memory_space<hbm>>
      %dma_wait3A_143 = arith.constant 0 : i32
      %dma_wait3A_144 = tpu.memref_slice %arg2[%mul3A_2, %dma_wait3A_143] : memref<6400x128xi32, #tpu.memory_space<hbm>> -> memref<200x128xi32, #tpu.memory_space<hbm>>
      tpu.wait_dma2 semaphore(%run_scoped3A : memref<!tpu.dma_semaphore, #tpu.memory_space<semaphore_mem>>) src(%dma_wait3A_144 : memref<200x128xi32, #tpu.memory_space<hbm>>) dst(%arg5 : memref<200x128xi32, #tpu.memory_space<vmem>>)
      tpu.yield
    }) : () -> ()
    %dma_start3A = arith.constant 0 : i32
    %dma_start3A_3 = arith.constant 0 : i32
    %dma_start3A_4 = tpu.memref_slice %arg5[%dma_start3A, %dma_start3A_3] : memref<200x128xi32, #tpu.memory_space<vmem>> -> memref<1x128xi32, #tpu.memory_space<vmem>>
    %dma_start3A_5 = tpu.memref_squeeze %dma_start3A_4 : memref<1x128xi32, #tpu.memory_space<vmem>> -> memref<128xi32, #tpu.memory_space<vmem>>
    %dma_start3A_6 = arith.constant 0 : i32
    %dma_start3A_7 = arith.constant 0 : i32
    %dma_start3A_8 = tpu.memref_slice %arg3[%dma_start3A_6, %dma_start3A_7] : memref<1000000x64xf32, #tpu.memory_space<hbm>> -> memref<1000000x64xf32, #tpu.memory_space<hbm>>
    tpu.enqueue_indirect_dma source(%dma_start3A_8 : memref<1000000x64xf32, #tpu.memory_space<hbm>>) target(%arg6 : memref<128x64xf32, #tpu.memory_space<vmem>>) offsets(%dma_start3A_5 : memref<128xi32, #tpu.memory_space<vmem>>) semaphore(%arg10 : memref<!tpu.dma_semaphore, #tpu.memory_space<semaphore_mem>>)
    %dma_start3A_9 = arith.constant 1 : i32
    %dma_start3A_10 = arith.constant 0 : i32
    %dma_start3A_11 = tpu.memref_slice %arg5[%dma_start3A_9, %dma_start3A_10] : memref<200x128xi32, #tpu.memory_space<vmem>> -> memref<1x128xi32, #tpu.memory_space<vmem>>
    %dma_start3A_12 = tpu.memref_squeeze %dma_start3A_11 : memref<1x128xi32, #tpu.memory_space<vmem>> -> memref<128xi32, #tpu.memory_space<vmem>>
    %dma_start3A_13 = arith.constant 0 : i32
    %dma_start3A_14 = arith.constant 0 : i32
    %dma_start3A_15 = tpu.memref_slice %arg3[%dma_start3A_13, %dma_start3A_14] : memref<1000000x64xf32, #tpu.memory_space<hbm>> -> memref<1000000x64xf32, #tpu.memory_space<hbm>>
    tpu.enqueue_indirect_dma source(%dma_start3A_15 : memref<1000000x64xf32, #tpu.memory_space<hbm>>) target(%arg7 : memref<128x64xf32, #tpu.memory_space<vmem>>) offsets(%dma_start3A_12 : memref<128xi32, #tpu.memory_space<vmem>>) semaphore(%arg11 : memref<!tpu.dma_semaphore, #tpu.memory_space<semaphore_mem>>)
    %dma_start3A_16 = arith.constant 2 : i32
    %dma_start3A_17 = arith.constant 0 : i32
    %dma_start3A_18 = tpu.memref_slice %arg5[%dma_start3A_16, %dma_start3A_17] : memref<200x128xi32, #tpu.memory_space<vmem>> -> memref<1x128xi32, #tpu.memory_space<vmem>>
    %dma_start3A_19 = tpu.memref_squeeze %dma_start3A_18 : memref<1x128xi32, #tpu.memory_space<vmem>> -> memref<128xi32, #tpu.memory_space<vmem>>
    %dma_start3A_20 = arith.constant 0 : i32
    %dma_start3A_21 = arith.constant 0 : i32
    %dma_start3A_22 = tpu.memref_slice %arg3[%dma_start3A_20, %dma_start3A_21] : memref<1000000x64xf32, #tpu.memory_space<hbm>> -> memref<1000000x64xf32, #tpu.memory_space<hbm>>
    tpu.enqueue_indirect_dma source(%dma_start3A_22 : memref<1000000x64xf32, #tpu.memory_space<hbm>>) target(%arg8 : memref<128x64xf32, #tpu.memory_space<vmem>>) offsets(%dma_start3A_19 : memref<128xi32, #tpu.memory_space<vmem>>) semaphore(%arg12 : memref<!tpu.dma_semaphore, #tpu.memory_space<semaphore_mem>>)
    %dma_wait3A = arith.constant 0 : i32
    %dma_wait3A_23 = arith.constant 0 : i32
    %dma_wait3A_24 = tpu.memref_slice %arg5[%dma_wait3A, %dma_wait3A_23] : memref<200x128xi32, #tpu.memory_space<vmem>> -> memref<1x128xi32, #tpu.memory_space<vmem>>
    %dma_wait3A_25 = tpu.memref_squeeze %dma_wait3A_24 : memref<1x128xi32, #tpu.memory_space<vmem>> -> memref<128xi32, #tpu.memory_space<vmem>>
    %dma_wait3A_26 = arith.constant 0 : i32
    %dma_wait3A_27 = arith.constant 0 : i32
    %dma_wait3A_28 = tpu.memref_slice %arg3[%dma_wait3A_26, %dma_wait3A_27] : memref<1000000x64xf32, #tpu.memory_space<hbm>> -> memref<1000000x64xf32, #tpu.memory_space<hbm>>
    tpu.wait_indirect_dma semaphore(%arg10 : memref<!tpu.dma_semaphore, #tpu.memory_space<semaphore_mem>>) src(%dma_wait3A_28 : memref<1000000x64xf32, #tpu.memory_space<hbm>>) dst(%arg6 : memref<128x64xf32, #tpu.memory_space<vmem>>)
    %parallel_loop3A = arith.constant 0 : i32
    %parallel_loop3A_29 = arith.constant 128 : i32
    %parallel_loop3A_30 = arith.constant 1 : i32
    scf.for %parallel_loop3A_137 = %parallel_loop3A to %parallel_loop3A_29 step %parallel_loop3A_30  : i32 {
      %parallel_loop3A_138 = arith.index_cast %parallel_loop3A_137 : i32 to index
      %parallel_loop3A_139 = arith.constant 0 : index
      %parallel_loop3A_140 = tpu.vector_load %arg6[%parallel_loop3A_138, %parallel_loop3A_139] {strides = array<i32>} : memref<128x64xf32, #tpu.memory_space<vmem>>, vector<1x16xf32>,
      %parallel_loop3A_141 = vector.shape_cast %parallel_loop3A_140 : vector<1x16xf32> to vector<16xf32>
      %parallel_loop3A_142 = arith.constant 8.000000e+00 : f32
      %parallel_loop3A_143 = vector.broadcast %parallel_loop3A_142 : f32 to vector<16xf32>
      %parallel_loop3A_144 = arith.mulf %parallel_loop3A_141, %parallel_loop3A_143 : vector<16xf32>
      %parallel_loop3A_145 = arith.index_cast %parallel_loop3A_137 : i32 to index
      %parallel_loop3A_146 = arith.constant 0 : index
      %parallel_loop3A_147 = tpu.vector_load %arg6[%parallel_loop3A_145, %parallel_loop3A_146] {strides = array<i32>} : memref<128x64xf32, #tpu.memory_space<vmem>>, vector<1x16xf32>,
      %parallel_loop3A_148 = vector.shape_cast %parallel_loop3A_147 : vector<1x16xf32> to vector<16xf32>
      %parallel_loop3A_149 = vector.shape_cast %parallel_loop3A_144 : vector<16xf32> to vector<1x16xf32>
      tpu.vector_store %arg6[%parallel_loop3A_145, %parallel_loop3A_146], %parallel_loop3A_149 {strides = array<i32>} : memref<128x64xf32, #tpu.memory_space<vmem>>, vector<1x16xf32>,
      %parallel_loop3A_150 = arith.index_cast %parallel_loop3A_137 : i32 to index
      %parallel_loop3A_151 = arith.constant 16 : index
      %parallel_loop3A_152 = tpu.vector_load %arg6[%parallel_loop3A_150, %parallel_loop3A_151] {strides = array<i32>} : memref<128x64xf32, #tpu.memory_space<vmem>>, vector<1x16xf32>,
      %parallel_loop3A_153 = vector.shape_cast %parallel_loop3A_152 : vector<1x16xf32> to vector<16xf32>
      %parallel_loop3A_154 = arith.constant 8.000000e+00 : f32
      %parallel_loop3A_155 = vector.broadcast %parallel_loop3A_154 : f32 to vector<16xf32>
      %parallel_loop3A_156 = arith.mulf %parallel_loop3A_153, %parallel_loop3A_155 : vector<16xf32>
      %parallel_loop3A_157 = arith.index_cast %parallel_loop3A_137 : i32 to index
      %parallel_loop3A_158 = arith.constant 16 : index
      %parallel_loop3A_159 = tpu.vector_load %arg6[%parallel_loop3A_157, %parallel_loop3A_158] {strides = array<i32>} : memref<128x64xf32, #tpu.memory_space<vmem>>, vector<1x16xf32>,
      %parallel_loop3A_160 = vector.shape_cast %parallel_loop3A_159 : vector<1x16xf32> to vector<16xf32>
      %parallel_loop3A_161 = vector.shape_cast %parallel_loop3A_156 : vector<16xf32> to vector<1x16xf32>
      tpu.vector_store %arg6[%parallel_loop3A_157, %parallel_loop3A_158], %parallel_loop3A_161 {strides = array<i32>} : memref<128x64xf32, #tpu.memory_space<vmem>>, vector<1x16xf32>,
      %parallel_loop3A_162 = arith.index_cast %parallel_loop3A_137 : i32 to index
      %parallel_loop3A_163 = arith.constant 32 : index
      %parallel_loop3A_164 = tpu.vector_load %arg6[%parallel_loop3A_162, %parallel_loop3A_163] {strides = array<i32>} : memref<128x64xf32, #tpu.memory_space<vmem>>, vector<1x16xf32>,
      %parallel_loop3A_165 = vector.shape_cast %parallel_loop3A_164 : vector<1x16xf32> to vector<16xf32>
      %parallel_loop3A_166 = arith.constant 8.000000e+00 : f32
      %parallel_loop3A_167 = vector.broadcast %parallel_loop3A_166 : f32 to vector<16xf32>
      %parallel_loop3A_168 = arith.mulf %parallel_loop3A_165, %parallel_loop3A_167 : vector<16xf32>
      %parallel_loop3A_169 = arith.index_cast %parallel_loop3A_137 : i32 to index
      %parallel_loop3A_170 = arith.constant 32 : index
      %parallel_loop3A_171 = tpu.vector_load %arg6[%parallel_loop3A_169, %parallel_loop3A_170] {strides = array<i32>} : memref<128x64xf32, #tpu.memory_space<vmem>>, vector<1x16xf32>,
      %parallel_loop3A_172 = vector.shape_cast %parallel_loop3A_171 : vector<1x16xf32> to vector<16xf32>
      %parallel_loop3A_173 = vector.shape_cast %parallel_loop3A_168 : vector<16xf32> to vector<1x16xf32>
      tpu.vector_store %arg6[%parallel_loop3A_169, %parallel_loop3A_170], %parallel_loop3A_173 {strides = array<i32>} : memref<128x64xf32, #tpu.memory_space<vmem>>, vector<1x16xf32>,
      %parallel_loop3A_174 = arith.index_cast %parallel_loop3A_137 : i32 to index
      %parallel_loop3A_175 = arith.constant 48 : index
      %parallel_loop3A_176 = tpu.vector_load %arg6[%parallel_loop3A_174, %parallel_loop3A_175] {strides = array<i32>} : memref<128x64xf32, #tpu.memory_space<vmem>>, vector<1x16xf32>,
      %parallel_loop3A_177 = vector.shape_cast %parallel_loop3A_176 : vector<1x16xf32> to vector<16xf32>
      %parallel_loop3A_178 = arith.constant 8.000000e+00 : f32
      %parallel_loop3A_179 = vector.broadcast %parallel_loop3A_178 : f32 to vector<16xf32>
      %parallel_loop3A_180 = arith.mulf %parallel_loop3A_177, %parallel_loop3A_179 : vector<16xf32>
      %parallel_loop3A_181 = arith.index_cast %parallel_loop3A_137 : i32 to index
      %parallel_loop3A_182 = arith.constant 48 : index
      %parallel_loop3A_183 = tpu.vector_load %arg6[%parallel_loop3A_181, %parallel_loop3A_182] {strides = array<i32>} : memref<128x64xf32, #tpu.memory_space<vmem>>, vector<1x16xf32>,
      %parallel_loop3A_184 = vector.shape_cast %parallel_loop3A_183 : vector<1x16xf32> to vector<16xf32>
      %parallel_loop3A_185 = vector.shape_cast %parallel_loop3A_180 : vector<16xf32> to vector<1x16xf32>
      tpu.vector_store %arg6[%parallel_loop3A_181, %parallel_loop3A_182], %parallel_loop3A_185 {strides = array<i32>} : memref<128x64xf32, #tpu.memory_space<vmem>>, vector<1x16xf32>,
    } {sc.loop_unroll_factor = 4 : i64, sc.parallel_access}
    %add3A_31 = arith.constant 0 : i32
    %add3A_32 = arith.addi %mul3A_2, %add3A_31 : i32
    %mul3A_33 = arith.constant 128 : i32
    %mul3A_34 = arith.muli %add3A_32, %mul3A_33 : i32
    %dma_start3A_35 = arith.constant 0 : i32
    %dma_start3A_36 = tpu.memref_slice %arg4[%mul3A_34, %dma_start3A_35] : memref<819200x64xf32, #tpu.memory_space<hbm>> -> memref<128x64xf32, #tpu.memory_space<hbm>>
    %dma_start3A_37 = arith.constant 0 : i32
    %dma_start3A_38 = tpu.memref_slice %arg4[%mul3A_34, %dma_start3A_37] : memref<819200x64xf32, #tpu.memory_space<hbm>> -> memref<128x64xf32, #tpu.memory_space<hbm>>
    tpu.enqueue_dma source(%arg6 : memref<128x64xf32, #tpu.memory_space<vmem>>) target(%dma_start3A_38 : memref<128x64xf32, #tpu.memory_space<hbm>>) target_semaphore(%arg14 : memref<!tpu.dma_semaphore, #tpu.memory_space<semaphore_mem>>)
    %dma_start3A_39 = arith.constant 3 : i32
    %dma_start3A_40 = arith.constant 0 : i32
    %dma_start3A_41 = tpu.memref_slice %arg5[%dma_start3A_39, %dma_start3A_40] : memref<200x128xi32, #tpu.memory_space<vmem>> -> memref<1x128xi32, #tpu.memory_space<vmem>>
    %dma_start3A_42 = tpu.memref_squeeze %dma_start3A_41 : memref<1x128xi32, #tpu.memory_space<vmem>> -> memref<128xi32, #tpu.memory_space<vmem>>
    %dma_start3A_43 = arith.constant 0 : i32
    %dma_start3A_44 = arith.constant 0 : i32
    %dma_start3A_45 = tpu.memref_slice %arg3[%dma_start3A_43, %dma_start3A_44] : memref<1000000x64xf32, #tpu.memory_space<hbm>> -> memref<1000000x64xf32, #tpu.memory_space<hbm>>
    tpu.enqueue_indirect_dma source(%dma_start3A_45 : memref<1000000x64xf32, #tpu.memory_space<hbm>>) target(%arg9 : memref<128x64xf32, #tpu.memory_space<vmem>>) offsets(%dma_start3A_42 : memref<128xi32, #tpu.memory_space<vmem>>) semaphore(%arg13 : memref<!tpu.dma_semaphore, #tpu.memory_space<semaphore_mem>>)
    %scan3A = arith.constant 0 : i32
    %scan3A_46 = arith.constant 0 : i32
    %scan3A_47 = arith.constant 49 : i32
    %scan3A_48 = arith.addi %scan3A_46, %scan3A_47 : i32
    %scan3A_49 = arith.constant 1 : i32
    scf.for %scan3A_137 = %scan3A_46 to %scan3A_48 step %scan3A_49  : i32 {
      %mul3A_138 = arith.constant 4 : i32
      %mul3A_139 = arith.muli %mul3A_138, %scan3A_137 : i32
      %add3A_140 = arith.constant 1 : i32
      %add3A_141 = arith.addi %add3A_140, %mul3A_139 : i32
      %add3A_142 = arith.constant 0 : i32
      %add3A_143 = arith.addi %add3A_141, %add3A_142 : i32
      %dma_wait3A_144 = arith.constant 0 : i32
      %dma_wait3A_145 = tpu.memref_slice %arg5[%add3A_143, %dma_wait3A_144] : memref<200x128xi32, #tpu.memory_space<vmem>> -> memref<1x128xi32, #tpu.memory_space<vmem>>
      %dma_wait3A_146 = tpu.memref_squeeze %dma_wait3A_145 : memref<1x128xi32, #tpu.memory_space<vmem>> -> memref<128xi32, #tpu.memory_space<vmem>>
      %dma_wait3A_147 = arith.constant 0 : i32
      %dma_wait3A_148 = arith.constant 0 : i32
      %dma_wait3A_149 = tpu.memref_slice %arg3[%dma_wait3A_147, %dma_wait3A_148] : memref<1000000x64xf32, #tpu.memory_space<hbm>> -> memref<1000000x64xf32, #tpu.memory_space<hbm>>
      tpu.wait_indirect_dma semaphore(%arg11 : memref<!tpu.dma_semaphore, #tpu.memory_space<semaphore_mem>>) src(%dma_wait3A_149 : memref<1000000x64xf32, #tpu.memory_space<hbm>>) dst(%arg7 : memref<128x64xf32, #tpu.memory_space<vmem>>)
      %parallel_loop3A_150 = arith.constant 0 : i32
      %parallel_loop3A_151 = arith.constant 128 : i32
      %parallel_loop3A_152 = arith.constant 1 : i32
      scf.for %parallel_loop3A_293 = %parallel_loop3A_150 to %parallel_loop3A_151 step %parallel_loop3A_152  : i32 {
        %parallel_loop3A_294 = arith.index_cast %parallel_loop3A_293 : i32 to index
        %parallel_loop3A_295 = arith.constant 0 : index
        %parallel_loop3A_296 = tpu.vector_load %arg7[%parallel_loop3A_294, %parallel_loop3A_295] {strides = array<i32>} : memref<128x64xf32, #tpu.memory_space<vmem>>, vector<1x16xf32>,
        %parallel_loop3A_297 = vector.shape_cast %parallel_loop3A_296 : vector<1x16xf32> to vector<16xf32>
        %parallel_loop3A_298 = arith.constant 8.000000e+00 : f32
        %parallel_loop3A_299 = vector.broadcast %parallel_loop3A_298 : f32 to vector<16xf32>
        %parallel_loop3A_300 = arith.mulf %parallel_loop3A_297, %parallel_loop3A_299 : vector<16xf32>
        %parallel_loop3A_301 = arith.index_cast %parallel_loop3A_293 : i32 to index
        %parallel_loop3A_302 = arith.constant 0 : index
        %parallel_loop3A_303 = tpu.vector_load %arg7[%parallel_loop3A_301, %parallel_loop3A_302] {strides = array<i32>} : memref<128x64xf32, #tpu.memory_space<vmem>>, vector<1x16xf32>,
        %parallel_loop3A_304 = vector.shape_cast %parallel_loop3A_303 : vector<1x16xf32> to vector<16xf32>
        %parallel_loop3A_305 = vector.shape_cast %parallel_loop3A_300 : vector<16xf32> to vector<1x16xf32>
        tpu.vector_store %arg7[%parallel_loop3A_301, %parallel_loop3A_302], %parallel_loop3A_305 {strides = array<i32>} : memref<128x64xf32, #tpu.memory_space<vmem>>, vector<1x16xf32>,
        %parallel_loop3A_306 = arith.index_cast %parallel_loop3A_293 : i32 to index
        %parallel_loop3A_307 = arith.constant 16 : index
        %parallel_loop3A_308 = tpu.vector_load %arg7[%parallel_loop3A_306, %parallel_loop3A_307] {strides = array<i32>} : memref<128x64xf32, #tpu.memory_space<vmem>>, vector<1x16xf32>,
        %parallel_loop3A_309 = vector.shape_cast %parallel_loop3A_308 : vector<1x16xf32> to vector<16xf32>
        %parallel_loop3A_310 = arith.constant 8.000000e+00 : f32
        %parallel_loop3A_311 = vector.broadcast %parallel_loop3A_310 : f32 to vector<16xf32>
        %parallel_loop3A_312 = arith.mulf %parallel_loop3A_309, %parallel_loop3A_311 : vector<16xf32>
        %parallel_loop3A_313 = arith.index_cast %parallel_loop3A_293 : i32 to index
        %parallel_loop3A_314 = arith.constant 16 : index
        %parallel_loop3A_315 = tpu.vector_load %arg7[%parallel_loop3A_313, %parallel_loop3A_314] {strides = array<i32>} : memref<128x64xf32, #tpu.memory_space<vmem>>, vector<1x16xf32>,
        %parallel_loop3A_316 = vector.shape_cast %parallel_loop3A_315 : vector<1x16xf32> to vector<16xf32>
        %parallel_loop3A_317 = vector.shape_cast %parallel_loop3A_312 : vector<16xf32> to vector<1x16xf32>
        tpu.vector_store %arg7[%parallel_loop3A_313, %parallel_loop3A_314], %parallel_loop3A_317 {strides = array<i32>} : memref<128x64xf32, #tpu.memory_space<vmem>>, vector<1x16xf32>,
        %parallel_loop3A_318 = arith.index_cast %parallel_loop3A_293 : i32 to index
        %parallel_loop3A_319 = arith.constant 32 : index
        %parallel_loop3A_320 = tpu.vector_load %arg7[%parallel_loop3A_318, %parallel_loop3A_319] {strides = array<i32>} : memref<128x64xf32, #tpu.memory_space<vmem>>, vector<1x16xf32>,
        %parallel_loop3A_321 = vector.shape_cast %parallel_loop3A_320 : vector<1x16xf32> to vector<16xf32>
        %parallel_loop3A_322 = arith.constant 8.000000e+00 : f32
        %parallel_loop3A_323 = vector.broadcast %parallel_loop3A_322 : f32 to vector<16xf32>
        %parallel_loop3A_324 = arith.mulf %parallel_loop3A_321, %parallel_loop3A_323 : vector<16xf32>
        %parallel_loop3A_325 = arith.index_cast %parallel_loop3A_293 : i32 to index
        %parallel_loop3A_326 = arith.constant 32 : index
        %parallel_loop3A_327 = tpu.vector_load %arg7[%parallel_loop3A_325, %parallel_loop3A_326] {strides = array<i32>} : memref<128x64xf32, #tpu.memory_space<vmem>>, vector<1x16xf32>,
        %parallel_loop3A_328 = vector.shape_cast %parallel_loop3A_327 : vector<1x16xf32> to vector<16xf32>
        %parallel_loop3A_329 = vector.shape_cast %parallel_loop3A_324 : vector<16xf32> to vector<1x16xf32>
        tpu.vector_store %arg7[%parallel_loop3A_325, %parallel_loop3A_326], %parallel_loop3A_329 {strides = array<i32>} : memref<128x64xf32, #tpu.memory_space<vmem>>, vector<1x16xf32>,
        %parallel_loop3A_330 = arith.index_cast %parallel_loop3A_293 : i32 to index
        %parallel_loop3A_331 = arith.constant 48 : index
        %parallel_loop3A_332 = tpu.vector_load %arg7[%parallel_loop3A_330, %parallel_loop3A_331] {strides = array<i32>} : memref<128x64xf32, #tpu.memory_space<vmem>>, vector<1x16xf32>,
        %parallel_loop3A_333 = vector.shape_cast %parallel_loop3A_332 : vector<1x16xf32> to vector<16xf32>
        %parallel_loop3A_334 = arith.constant 8.000000e+00 : f32
        %parallel_loop3A_335 = vector.broadcast %parallel_loop3A_334 : f32 to vector<16xf32>
        %parallel_loop3A_336 = arith.mulf %parallel_loop3A_333, %parallel_loop3A_335 : vector<16xf32>
        %parallel_loop3A_337 = arith.index_cast %parallel_loop3A_293 : i32 to index
        %parallel_loop3A_338 = arith.constant 48 : index
        %parallel_loop3A_339 = tpu.vector_load %arg7[%parallel_loop3A_337, %parallel_loop3A_338] {strides = array<i32>} : memref<128x64xf32, #tpu.memory_space<vmem>>, vector<1x16xf32>,
        %parallel_loop3A_340 = vector.shape_cast %parallel_loop3A_339 : vector<1x16xf32> to vector<16xf32>
        %parallel_loop3A_341 = vector.shape_cast %parallel_loop3A_336 : vector<16xf32> to vector<1x16xf32>
        tpu.vector_store %arg7[%parallel_loop3A_337, %parallel_loop3A_338], %parallel_loop3A_341 {strides = array<i32>} : memref<128x64xf32, #tpu.memory_space<vmem>>, vector<1x16xf32>,
      } {sc.loop_unroll_factor = 4 : i64, sc.parallel_access}
      %add3A_153 = arith.addi %mul3A_2, %add3A_143 : i32
      %mul3A_154 = arith.constant 128 : i32
      %mul3A_155 = arith.muli %add3A_153, %mul3A_154 : i32
      %dma_start3A_156 = arith.constant 0 : i32
      %dma_start3A_157 = tpu.memref_slice %arg4[%mul3A_155, %dma_start3A_156] : memref<819200x64xf32, #tpu.memory_space<hbm>> -> memref<128x64xf32, #tpu.memory_space<hbm>>
      %dma_start3A_158 = arith.constant 0 : i32
      %dma_start3A_159 = tpu.memref_slice %arg4[%mul3A_155, %dma_start3A_158] : memref<819200x64xf32, #tpu.memory_space<hbm>> -> memref<128x64xf32, #tpu.memory_space<hbm>>
      tpu.enqueue_dma source(%arg7 : memref<128x64xf32, #tpu.memory_space<vmem>>) target(%dma_start3A_159 : memref<128x64xf32, #tpu.memory_space<hbm>>) target_semaphore(%arg15 : memref<!tpu.dma_semaphore, #tpu.memory_space<semaphore_mem>>)
      %sub3A = arith.constant 1 : i32
      %sub3A_160 = arith.subi %add3A_143, %sub3A : i32
      %add3A_161 = arith.addi %mul3A_2, %sub3A_160 : i32
      %mul3A_162 = arith.constant 128 : i32
      %mul3A_163 = arith.muli %add3A_161, %mul3A_162 : i32
      %dma_wait3A_164 = arith.constant 0 : i32
      %dma_wait3A_165 = tpu.memref_slice %arg4[%mul3A_163, %dma_wait3A_164] : memref<819200x64xf32, #tpu.memory_space<hbm>> -> memref<128x64xf32, #tpu.memory_space<hbm>>
      %dma_wait3A_166 = arith.constant 0 : i32
      %dma_wait3A_167 = tpu.memref_slice %arg4[%mul3A_163, %dma_wait3A_166] : memref<819200x64xf32, #tpu.memory_space<hbm>> -> memref<128x64xf32, #tpu.memory_space<hbm>>
      tpu.wait_dma2 semaphore(%arg14 : memref<!tpu.dma_semaphore, #tpu.memory_space<semaphore_mem>>) src(%arg6 : memref<128x64xf32, #tpu.memory_space<vmem>>) dst(%dma_wait3A_167 : memref<128x64xf32, #tpu.memory_space<hbm>>)
      %add3A_168 = arith.constant 3 : i32
      %add3A_169 = arith.addi %add3A_143, %add3A_168 : i32
      %dma_start3A_170 = arith.constant 0 : i32
      %dma_start3A_171 = tpu.memref_slice %arg5[%add3A_169, %dma_start3A_170] : memref<200x128xi32, #tpu.memory_space<vmem>> -> memref<1x128xi32, #tpu.memory_space<vmem>>
      %dma_start3A_172 = tpu.memref_squeeze %dma_start3A_171 : memref<1x128xi32, #tpu.memory_space<vmem>> -> memref<128xi32, #tpu.memory_space<vmem>>
      %dma_start3A_173 = arith.constant 0 : i32
      %dma_start3A_174 = arith.constant 0 : i32
      %dma_start3A_175 = tpu.memref_slice %arg3[%dma_start3A_173, %dma_start3A_174] : memref<1000000x64xf32, #tpu.memory_space<hbm>> -> memref<1000000x64xf32, #tpu.memory_space<hbm>>
      tpu.enqueue_indirect_dma source(%dma_start3A_175 : memref<1000000x64xf32, #tpu.memory_space<hbm>>) target(%arg6 : memref<128x64xf32, #tpu.memory_space<vmem>>) offsets(%dma_start3A_172 : memref<128xi32, #tpu.memory_space<vmem>>) semaphore(%arg10 : memref<!tpu.dma_semaphore, #tpu.memory_space<semaphore_mem>>)
      %mul3A_176 = arith.constant 4 : i32
      %mul3A_177 = arith.muli %mul3A_176, %scan3A_137 : i32
      %add3A_178 = arith.constant 1 : i32
      %add3A_179 = arith.addi %add3A_178, %mul3A_177 : i32
      %add3A_180 = arith.constant 1 : i32
      %add3A_181 = arith.addi %add3A_179, %add3A_180 : i32
      %dma_wait3A_182 = arith.constant 0 : i32
      %dma_wait3A_183 = tpu.memref_slice %arg5[%add3A_181, %dma_wait3A_182] : memref<200x128xi32, #tpu.memory_space<vmem>> -> memref<1x128xi32, #tpu.memory_space<vmem>>
      %dma_wait3A_184 = tpu.memref_squeeze %dma_wait3A_183 : memref<1x128xi32, #tpu.memory_space<vmem>> -> memref<128xi32, #tpu.memory_space<vmem>>
      %dma_wait3A_185 = arith.constant 0 : i32
      %dma_wait3A_186 = arith.constant 0 : i32
      %dma_wait3A_187 = tpu.memref_slice %arg3[%dma_wait3A_185, %dma_wait3A_186] : memref<1000000x64xf32, #tpu.memory_space<hbm>> -> memref<1000000x64xf32, #tpu.memory_space<hbm>>
      tpu.wait_indirect_dma semaphore(%arg12 : memref<!tpu.dma_semaphore, #tpu.memory_space<semaphore_mem>>) src(%dma_wait3A_187 : memref<1000000x64xf32, #tpu.memory_space<hbm>>) dst(%arg8 : memref<128x64xf32, #tpu.memory_space<vmem>>)
      %parallel_loop3A_188 = arith.constant 0 : i32
      %parallel_loop3A_189 = arith.constant 128 : i32
      %parallel_loop3A_190 = arith.constant 1 : i32
      scf.for %parallel_loop3A_293 = %parallel_loop3A_188 to %parallel_loop3A_189 step %parallel_loop3A_190  : i32 {
        %parallel_loop3A_294 = arith.index_cast %parallel_loop3A_293 : i32 to index
        %parallel_loop3A_295 = arith.constant 0 : index
        %parallel_loop3A_296 = tpu.vector_load %arg8[%parallel_loop3A_294, %parallel_loop3A_295] {strides = array<i32>} : memref<128x64xf32, #tpu.memory_space<vmem>>, vector<1x16xf32>,
        %parallel_loop3A_297 = vector.shape_cast %parallel_loop3A_296 : vector<1x16xf32> to vector<16xf32>
        %parallel_loop3A_298 = arith.constant 8.000000e+00 : f32
        %parallel_loop3A_299 = vector.broadcast %parallel_loop3A_298 : f32 to vector<16xf32>
        %parallel_loop3A_300 = arith.mulf %parallel_loop3A_297, %parallel_loop3A_299 : vector<16xf32>
        %parallel_loop3A_301 = arith.index_cast %parallel_loop3A_293 : i32 to index
        %parallel_loop3A_302 = arith.constant 0 : index
        %parallel_loop3A_303 = tpu.vector_load %arg8[%parallel_loop3A_301, %parallel_loop3A_302] {strides = array<i32>} : memref<128x64xf32, #tpu.memory_space<vmem>>, vector<1x16xf32>,
        %parallel_loop3A_304 = vector.shape_cast %parallel_loop3A_303 : vector<1x16xf32> to vector<16xf32>
        %parallel_loop3A_305 = vector.shape_cast %parallel_loop3A_300 : vector<16xf32> to vector<1x16xf32>
        tpu.vector_store %arg8[%parallel_loop3A_301, %parallel_loop3A_302], %parallel_loop3A_305 {strides = array<i32>} : memref<128x64xf32, #tpu.memory_space<vmem>>, vector<1x16xf32>,
        %parallel_loop3A_306 = arith.index_cast %parallel_loop3A_293 : i32 to index
        %parallel_loop3A_307 = arith.constant 16 : index
        %parallel_loop3A_308 = tpu.vector_load %arg8[%parallel_loop3A_306, %parallel_loop3A_307] {strides = array<i32>} : memref<128x64xf32, #tpu.memory_space<vmem>>, vector<1x16xf32>,
        %parallel_loop3A_309 = vector.shape_cast %parallel_loop3A_308 : vector<1x16xf32> to vector<16xf32>
        %parallel_loop3A_310 = arith.constant 8.000000e+00 : f32
        %parallel_loop3A_311 = vector.broadcast %parallel_loop3A_310 : f32 to vector<16xf32>
        %parallel_loop3A_312 = arith.mulf %parallel_loop3A_309, %parallel_loop3A_311 : vector<16xf32>
        %parallel_loop3A_313 = arith.index_cast %parallel_loop3A_293 : i32 to index
        %parallel_loop3A_314 = arith.constant 16 : index
        %parallel_loop3A_315 = tpu.vector_load %arg8[%parallel_loop3A_313, %parallel_loop3A_314] {strides = array<i32>} : memref<128x64xf32, #tpu.memory_space<vmem>>, vector<1x16xf32>,
        %parallel_loop3A_316 = vector.shape_cast %parallel_loop3A_315 : vector<1x16xf32> to vector<16xf32>
        %parallel_loop3A_317 = vector.shape_cast %parallel_loop3A_312 : vector<16xf32> to vector<1x16xf32>
        tpu.vector_store %arg8[%parallel_loop3A_313, %parallel_loop3A_314], %parallel_loop3A_317 {strides = array<i32>} : memref<128x64xf32, #tpu.memory_space<vmem>>, vector<1x16xf32>,
        %parallel_loop3A_318 = arith.index_cast %parallel_loop3A_293 : i32 to index
        %parallel_loop3A_319 = arith.constant 32 : index
        %parallel_loop3A_320 = tpu.vector_load %arg8[%parallel_loop3A_318, %parallel_loop3A_319] {strides = array<i32>} : memref<128x64xf32, #tpu.memory_space<vmem>>, vector<1x16xf32>,
        %parallel_loop3A_321 = vector.shape_cast %parallel_loop3A_320 : vector<1x16xf32> to vector<16xf32>
        %parallel_loop3A_322 = arith.constant 8.000000e+00 : f32
        %parallel_loop3A_323 = vector.broadcast %parallel_loop3A_322 : f32 to vector<16xf32>
        %parallel_loop3A_324 = arith.mulf %parallel_loop3A_321, %parallel_loop3A_323 : vector<16xf32>
        %parallel_loop3A_325 = arith.index_cast %parallel_loop3A_293 : i32 to index
        %parallel_loop3A_326 = arith.constant 32 : index
        %parallel_loop3A_327 = tpu.vector_load %arg8[%parallel_loop3A_325, %parallel_loop3A_326] {strides = array<i32>} : memref<128x64xf32, #tpu.memory_space<vmem>>, vector<1x16xf32>,
        %parallel_loop3A_328 = vector.shape_cast %parallel_loop3A_327 : vector<1x16xf32> to vector<16xf32>
        %parallel_loop3A_329 = vector.shape_cast %parallel_loop3A_324 : vector<16xf32> to vector<1x16xf32>
        tpu.vector_store %arg8[%parallel_loop3A_325, %parallel_loop3A_326], %parallel_loop3A_329 {strides = array<i32>} : memref<128x64xf32, #tpu.memory_space<vmem>>, vector<1x16xf32>,
        %parallel_loop3A_330 = arith.index_cast %parallel_loop3A_293 : i32 to index
        %parallel_loop3A_331 = arith.constant 48 : index
        %parallel_loop3A_332 = tpu.vector_load %arg8[%parallel_loop3A_330, %parallel_loop3A_331] {strides = array<i32>} : memref<128x64xf32, #tpu.memory_space<vmem>>, vector<1x16xf32>,
        %parallel_loop3A_333 = vector.shape_cast %parallel_loop3A_332 : vector<1x16xf32> to vector<16xf32>
        %parallel_loop3A_334 = arith.constant 8.000000e+00 : f32
        %parallel_loop3A_335 = vector.broadcast %parallel_loop3A_334 : f32 to vector<16xf32>
        %parallel_loop3A_336 = arith.mulf %parallel_loop3A_333, %parallel_loop3A_335 : vector<16xf32>
        %parallel_loop3A_337 = arith.index_cast %parallel_loop3A_293 : i32 to index
        %parallel_loop3A_338 = arith.constant 48 : index
        %parallel_loop3A_339 = tpu.vector_load %arg8[%parallel_loop3A_337, %parallel_loop3A_338] {strides = array<i32>} : memref<128x64xf32, #tpu.memory_space<vmem>>, vector<1x16xf32>,
        %parallel_loop3A_340 = vector.shape_cast %parallel_loop3A_339 : vector<1x16xf32> to vector<16xf32>
        %parallel_loop3A_341 = vector.shape_cast %parallel_loop3A_336 : vector<16xf32> to vector<1x16xf32>
        tpu.vector_store %arg8[%parallel_loop3A_337, %parallel_loop3A_338], %parallel_loop3A_341 {strides = array<i32>} : memref<128x64xf32, #tpu.memory_space<vmem>>, vector<1x16xf32>,
      } {sc.loop_unroll_factor = 4 : i64, sc.parallel_access}
      %add3A_191 = arith.addi %mul3A_2, %add3A_181 : i32
      %mul3A_192 = arith.constant 128 : i32
      %mul3A_193 = arith.muli %add3A_191, %mul3A_192 : i32
      %dma_start3A_194 = arith.constant 0 : i32
      %dma_start3A_195 = tpu.memref_slice %arg4[%mul3A_193, %dma_start3A_194] : memref<819200x64xf32, #tpu.memory_space<hbm>> -> memref<128x64xf32, #tpu.memory_space<hbm>>
      %dma_start3A_196 = arith.constant 0 : i32
      %dma_start3A_197 = tpu.memref_slice %arg4[%mul3A_193, %dma_start3A_196] : memref<819200x64xf32, #tpu.memory_space<hbm>> -> memref<128x64xf32, #tpu.memory_space<hbm>>
      tpu.enqueue_dma source(%arg8 : memref<128x64xf32, #tpu.memory_space<vmem>>) target(%dma_start3A_197 : memref<128x64xf32, #tpu.memory_space<hbm>>) target_semaphore(%arg16 : memref<!tpu.dma_semaphore, #tpu.memory_space<semaphore_mem>>)
      %sub3A_198 = arith.constant 1 : i32
      %sub3A_199 = arith.subi %add3A_181, %sub3A_198 : i32
      %add3A_200 = arith.addi %mul3A_2, %sub3A_199 : i32
      %mul3A_201 = arith.constant 128 : i32
      %mul3A_202 = arith.muli %add3A_200, %mul3A_201 : i32
      %dma_wait3A_203 = arith.constant 0 : i32
      %dma_wait3A_204 = tpu.memref_slice %arg4[%mul3A_202, %dma_wait3A_203] : memref<819200x64xf32, #tpu.memory_space<hbm>> -> memref<128x64xf32, #tpu.memory_space<hbm>>
      %dma_wait3A_205 = arith.constant 0 : i32
      %dma_wait3A_206 = tpu.memref_slice %arg4[%mul3A_202, %dma_wait3A_205] : memref<819200x64xf32, #tpu.memory_space<hbm>> -> memref<128x64xf32, #tpu.memory_space<hbm>>
      tpu.wait_dma2 semaphore(%arg15 : memref<!tpu.dma_semaphore, #tpu.memory_space<semaphore_mem>>) src(%arg7 : memref<128x64xf32, #tpu.memory_space<vmem>>) dst(%dma_wait3A_206 : memref<128x64xf32, #tpu.memory_space<hbm>>)
      %add3A_207 = arith.constant 3 : i32
      %add3A_208 = arith.addi %add3A_181, %add3A_207 : i32
      %dma_start3A_209 = arith.constant 0 : i32
      %dma_start3A_210 = tpu.memref_slice %arg5[%add3A_208, %dma_start3A_209] : memref<200x128xi32, #tpu.memory_space<vmem>> -> memref<1x128xi32, #tpu.memory_space<vmem>>
      %dma_start3A_211 = tpu.memref_squeeze %dma_start3A_210 : memref<1x128xi32, #tpu.memory_space<vmem>> -> memref<128xi32, #tpu.memory_space<vmem>>
      %dma_start3A_212 = arith.constant 0 : i32
      %dma_start3A_213 = arith.constant 0 : i32
      %dma_start3A_214 = tpu.memref_slice %arg3[%dma_start3A_212, %dma_start3A_213] : memref<1000000x64xf32, #tpu.memory_space<hbm>> -> memref<1000000x64xf32, #tpu.memory_space<hbm>>
      tpu.enqueue_indirect_dma source(%dma_start3A_214 : memref<1000000x64xf32, #tpu.memory_space<hbm>>) target(%arg7 : memref<128x64xf32, #tpu.memory_space<vmem>>) offsets(%dma_start3A_211 : memref<128xi32, #tpu.memory_space<vmem>>) semaphore(%arg11 : memref<!tpu.dma_semaphore, #tpu.memory_space<semaphore_mem>>)
      %mul3A_215 = arith.constant 4 : i32
      %mul3A_216 = arith.muli %mul3A_215, %scan3A_137 : i32
      %add3A_217 = arith.constant 1 : i32
      %add3A_218 = arith.addi %add3A_217, %mul3A_216 : i32
      %add3A_219 = arith.constant 2 : i32
      %add3A_220 = arith.addi %add3A_218, %add3A_219 : i32
      %dma_wait3A_221 = arith.constant 0 : i32
      %dma_wait3A_222 = tpu.memref_slice %arg5[%add3A_220, %dma_wait3A_221] : memref<200x128xi32, #tpu.memory_space<vmem>> -> memref<1x128xi32, #tpu.memory_space<vmem>>
      %dma_wait3A_223 = tpu.memref_squeeze %dma_wait3A_222 : memref<1x128xi32, #tpu.memory_space<vmem>> -> memref<128xi32, #tpu.memory_space<vmem>>
      %dma_wait3A_224 = arith.constant 0 : i32
      %dma_wait3A_225 = arith.constant 0 : i32
      %dma_wait3A_226 = tpu.memref_slice %arg3[%dma_wait3A_224, %dma_wait3A_225] : memref<1000000x64xf32, #tpu.memory_space<hbm>> -> memref<1000000x64xf32, #tpu.memory_space<hbm>>
      tpu.wait_indirect_dma semaphore(%arg13 : memref<!tpu.dma_semaphore, #tpu.memory_space<semaphore_mem>>) src(%dma_wait3A_226 : memref<1000000x64xf32, #tpu.memory_space<hbm>>) dst(%arg9 : memref<128x64xf32, #tpu.memory_space<vmem>>)
      %parallel_loop3A_227 = arith.constant 0 : i32
      %parallel_loop3A_228 = arith.constant 128 : i32
      %parallel_loop3A_229 = arith.constant 1 : i32
      scf.for %parallel_loop3A_293 = %parallel_loop3A_227 to %parallel_loop3A_228 step %parallel_loop3A_229  : i32 {
        %parallel_loop3A_294 = arith.index_cast %parallel_loop3A_293 : i32 to index
        %parallel_loop3A_295 = arith.constant 0 : index
        %parallel_loop3A_296 = tpu.vector_load %arg9[%parallel_loop3A_294, %parallel_loop3A_295] {strides = array<i32>} : memref<128x64xf32, #tpu.memory_space<vmem>>, vector<1x16xf32>,
        %parallel_loop3A_297 = vector.shape_cast %parallel_loop3A_296 : vector<1x16xf32> to vector<16xf32>
        %parallel_loop3A_298 = arith.constant 8.000000e+00 : f32
        %parallel_loop3A_299 = vector.broadcast %parallel_loop3A_298 : f32 to vector<16xf32>
        %parallel_loop3A_300 = arith.mulf %parallel_loop3A_297, %parallel_loop3A_299 : vector<16xf32>
        %parallel_loop3A_301 = arith.index_cast %parallel_loop3A_293 : i32 to index
        %parallel_loop3A_302 = arith.constant 0 : index
        %parallel_loop3A_303 = tpu.vector_load %arg9[%parallel_loop3A_301, %parallel_loop3A_302] {strides = array<i32>} : memref<128x64xf32, #tpu.memory_space<vmem>>, vector<1x16xf32>,
        %parallel_loop3A_304 = vector.shape_cast %parallel_loop3A_303 : vector<1x16xf32> to vector<16xf32>
        %parallel_loop3A_305 = vector.shape_cast %parallel_loop3A_300 : vector<16xf32> to vector<1x16xf32>
        tpu.vector_store %arg9[%parallel_loop3A_301, %parallel_loop3A_302], %parallel_loop3A_305 {strides = array<i32>} : memref<128x64xf32, #tpu.memory_space<vmem>>, vector<1x16xf32>,
        %parallel_loop3A_306 = arith.index_cast %parallel_loop3A_293 : i32 to index
        %parallel_loop3A_307 = arith.constant 16 : index
        %parallel_loop3A_308 = tpu.vector_load %arg9[%parallel_loop3A_306, %parallel_loop3A_307] {strides = array<i32>} : memref<128x64xf32, #tpu.memory_space<vmem>>, vector<1x16xf32>,
        %parallel_loop3A_309 = vector.shape_cast %parallel_loop3A_308 : vector<1x16xf32> to vector<16xf32>
        %parallel_loop3A_310 = arith.constant 8.000000e+00 : f32
        %parallel_loop3A_311 = vector.broadcast %parallel_loop3A_310 : f32 to vector<16xf32>
        %parallel_loop3A_312 = arith.mulf %parallel_loop3A_309, %parallel_loop3A_311 : vector<16xf32>
        %parallel_loop3A_313 = arith.index_cast %parallel_loop3A_293 : i32 to index
        %parallel_loop3A_314 = arith.constant 16 : index
        %parallel_loop3A_315 = tpu.vector_load %arg9[%parallel_loop3A_313, %parallel_loop3A_314] {strides = array<i32>} : memref<128x64xf32, #tpu.memory_space<vmem>>, vector<1x16xf32>,
        %parallel_loop3A_316 = vector.shape_cast %parallel_loop3A_315 : vector<1x16xf32> to vector<16xf32>
        %parallel_loop3A_317 = vector.shape_cast %parallel_loop3A_312 : vector<16xf32> to vector<1x16xf32>
        tpu.vector_store %arg9[%parallel_loop3A_313, %parallel_loop3A_314], %parallel_loop3A_317 {strides = array<i32>} : memref<128x64xf32, #tpu.memory_space<vmem>>, vector<1x16xf32>,
        %parallel_loop3A_318 = arith.index_cast %parallel_loop3A_293 : i32 to index
        %parallel_loop3A_319 = arith.constant 32 : index
        %parallel_loop3A_320 = tpu.vector_load %arg9[%parallel_loop3A_318, %parallel_loop3A_319] {strides = array<i32>} : memref<128x64xf32, #tpu.memory_space<vmem>>, vector<1x16xf32>,
        %parallel_loop3A_321 = vector.shape_cast %parallel_loop3A_320 : vector<1x16xf32> to vector<16xf32>
        %parallel_loop3A_322 = arith.constant 8.000000e+00 : f32
        %parallel_loop3A_323 = vector.broadcast %parallel_loop3A_322 : f32 to vector<16xf32>
        %parallel_loop3A_324 = arith.mulf %parallel_loop3A_321, %parallel_loop3A_323 : vector<16xf32>
        %parallel_loop3A_325 = arith.index_cast %parallel_loop3A_293 : i32 to index
        %parallel_loop3A_326 = arith.constant 32 : index
        %parallel_loop3A_327 = tpu.vector_load %arg9[%parallel_loop3A_325, %parallel_loop3A_326] {strides = array<i32>} : memref<128x64xf32, #tpu.memory_space<vmem>>, vector<1x16xf32>,
        %parallel_loop3A_328 = vector.shape_cast %parallel_loop3A_327 : vector<1x16xf32> to vector<16xf32>
        %parallel_loop3A_329 = vector.shape_cast %parallel_loop3A_324 : vector<16xf32> to vector<1x16xf32>
        tpu.vector_store %arg9[%parallel_loop3A_325, %parallel_loop3A_326], %parallel_loop3A_329 {strides = array<i32>} : memref<128x64xf32, #tpu.memory_space<vmem>>, vector<1x16xf32>,
        %parallel_loop3A_330 = arith.index_cast %parallel_loop3A_293 : i32 to index
        %parallel_loop3A_331 = arith.constant 48 : index
        %parallel_loop3A_332 = tpu.vector_load %arg9[%parallel_loop3A_330, %parallel_loop3A_331] {strides = array<i32>} : memref<128x64xf32, #tpu.memory_space<vmem>>, vector<1x16xf32>,
        %parallel_loop3A_333 = vector.shape_cast %parallel_loop3A_332 : vector<1x16xf32> to vector<16xf32>
        %parallel_loop3A_334 = arith.constant 8.000000e+00 : f32
        %parallel_loop3A_335 = vector.broadcast %parallel_loop3A_334 : f32 to vector<16xf32>
        %parallel_loop3A_336 = arith.mulf %parallel_loop3A_333, %parallel_loop3A_335 : vector<16xf32>
        %parallel_loop3A_337 = arith.index_cast %parallel_loop3A_293 : i32 to index
        %parallel_loop3A_338 = arith.constant 48 : index
        %parallel_loop3A_339 = tpu.vector_load %arg9[%parallel_loop3A_337, %parallel_loop3A_338] {strides = array<i32>} : memref<128x64xf32, #tpu.memory_space<vmem>>, vector<1x16xf32>,
        %parallel_loop3A_340 = vector.shape_cast %parallel_loop3A_339 : vector<1x16xf32> to vector<16xf32>
        %parallel_loop3A_341 = vector.shape_cast %parallel_loop3A_336 : vector<16xf32> to vector<1x16xf32>
        tpu.vector_store %arg9[%parallel_loop3A_337, %parallel_loop3A_338], %parallel_loop3A_341 {strides = array<i32>} : memref<128x64xf32, #tpu.memory_space<vmem>>, vector<1x16xf32>,
      } {sc.loop_unroll_factor = 4 : i64, sc.parallel_access}
      %add3A_230 = arith.addi %mul3A_2, %add3A_220 : i32
      %mul3A_231 = arith.constant 128 : i32
      %mul3A_232 = arith.muli %add3A_230, %mul3A_231 : i32
      %dma_start3A_233 = arith.constant 0 : i32
      %dma_start3A_234 = tpu.memref_slice %arg4[%mul3A_232, %dma_start3A_233] : memref<819200x64xf32, #tpu.memory_space<hbm>> -> memref<128x64xf32, #tpu.memory_space<hbm>>
      %dma_start3A_235 = arith.constant 0 : i32
      %dma_start3A_236 = tpu.memref_slice %arg4[%mul3A_232, %dma_start3A_235] : memref<819200x64xf32, #tpu.memory_space<hbm>> -> memref<128x64xf32, #tpu.memory_space<hbm>>
      tpu.enqueue_dma source(%arg9 : memref<128x64xf32, #tpu.memory_space<vmem>>) target(%dma_start3A_236 : memref<128x64xf32, #tpu.memory_space<hbm>>) target_semaphore(%arg17 : memref<!tpu.dma_semaphore, #tpu.memory_space<semaphore_mem>>)
      %sub3A_237 = arith.constant 1 : i32
      %sub3A_238 = arith.subi %add3A_220, %sub3A_237 : i32
      %add3A_239 = arith.addi %mul3A_2, %sub3A_238 : i32
      %mul3A_240 = arith.constant 128 : i32
      %mul3A_241 = arith.muli %add3A_239, %mul3A_240 : i32
      %dma_wait3A_242 = arith.constant 0 : i32
      %dma_wait3A_243 = tpu.memref_slice %arg4[%mul3A_241, %dma_wait3A_242] : memref<819200x64xf32, #tpu.memory_space<hbm>> -> memref<128x64xf32, #tpu.memory_space<hbm>>
      %dma_wait3A_244 = arith.constant 0 : i32
      %dma_wait3A_245 = tpu.memref_slice %arg4[%mul3A_241, %dma_wait3A_244] : memref<819200x64xf32, #tpu.memory_space<hbm>> -> memref<128x64xf32, #tpu.memory_space<hbm>>
      tpu.wait_dma2 semaphore(%arg16 : memref<!tpu.dma_semaphore, #tpu.memory_space<semaphore_mem>>) src(%arg8 : memref<128x64xf32, #tpu.memory_space<vmem>>) dst(%dma_wait3A_245 : memref<128x64xf32, #tpu.memory_space<hbm>>)
      %add3A_246 = arith.constant 3 : i32
      %add3A_247 = arith.addi %add3A_220, %add3A_246 : i32
      %dma_start3A_248 = arith.constant 0 : i32
      %dma_start3A_249 = tpu.memref_slice %arg5[%add3A_247, %dma_start3A_248] : memref<200x128xi32, #tpu.memory_space<vmem>> -> memref<1x128xi32, #tpu.memory_space<vmem>>
      %dma_start3A_250 = tpu.memref_squeeze %dma_start3A_249 : memref<1x128xi32, #tpu.memory_space<vmem>> -> memref<128xi32, #tpu.memory_space<vmem>>
      %dma_start3A_251 = arith.constant 0 : i32
      %dma_start3A_252 = arith.constant 0 : i32
      %dma_start3A_253 = tpu.memref_slice %arg3[%dma_start3A_251, %dma_start3A_252] : memref<1000000x64xf32, #tpu.memory_space<hbm>> -> memref<1000000x64xf32, #tpu.memory_space<hbm>>
      tpu.enqueue_indirect_dma source(%dma_start3A_253 : memref<1000000x64xf32, #tpu.memory_space<hbm>>) target(%arg8 : memref<128x64xf32, #tpu.memory_space<vmem>>) offsets(%dma_start3A_250 : memref<128xi32, #tpu.memory_space<vmem>>) semaphore(%arg12 : memref<!tpu.dma_semaphore, #tpu.memory_space<semaphore_mem>>)
      %mul3A_254 = arith.constant 4 : i32
      %mul3A_255 = arith.muli %mul3A_254, %scan3A_137 : i32
      %add3A_256 = arith.constant 1 : i32
      %add3A_257 = arith.addi %add3A_256, %mul3A_255 : i32
      %add3A_258 = arith.constant 3 : i32
      %add3A_259 = arith.addi %add3A_257, %add3A_258 : i32
      %dma_wait3A_260 = arith.constant 0 : i32
      %dma_wait3A_261 = tpu.memref_slice %arg5[%add3A_259, %dma_wait3A_260] : memref<200x128xi32, #tpu.memory_space<vmem>> -> memref<1x128xi32, #tpu.memory_space<vmem>>
      %dma_wait3A_262 = tpu.memref_squeeze %dma_wait3A_261 : memref<1x128xi32, #tpu.memory_space<vmem>> -> memref<128xi32, #tpu.memory_space<vmem>>
      %dma_wait3A_263 = arith.constant 0 : i32
      %dma_wait3A_264 = arith.constant 0 : i32
      %dma_wait3A_265 = tpu.memref_slice %arg3[%dma_wait3A_263, %dma_wait3A_264] : memref<1000000x64xf32, #tpu.memory_space<hbm>> -> memref<1000000x64xf32, #tpu.memory_space<hbm>>
      tpu.wait_indirect_dma semaphore(%arg10 : memref<!tpu.dma_semaphore, #tpu.memory_space<semaphore_mem>>) src(%dma_wait3A_265 : memref<1000000x64xf32, #tpu.memory_space<hbm>>) dst(%arg6 : memref<128x64xf32, #tpu.memory_space<vmem>>)
      %parallel_loop3A_266 = arith.constant 0 : i32
      %parallel_loop3A_267 = arith.constant 128 : i32
      %parallel_loop3A_268 = arith.constant 1 : i32
      scf.for %parallel_loop3A_293 = %parallel_loop3A_266 to %parallel_loop3A_267 step %parallel_loop3A_268  : i32 {
        %parallel_loop3A_294 = arith.index_cast %parallel_loop3A_293 : i32 to index
        %parallel_loop3A_295 = arith.constant 0 : index
        %parallel_loop3A_296 = tpu.vector_load %arg6[%parallel_loop3A_294, %parallel_loop3A_295] {strides = array<i32>} : memref<128x64xf32, #tpu.memory_space<vmem>>, vector<1x16xf32>,
        %parallel_loop3A_297 = vector.shape_cast %parallel_loop3A_296 : vector<1x16xf32> to vector<16xf32>
        %parallel_loop3A_298 = arith.constant 8.000000e+00 : f32
        %parallel_loop3A_299 = vector.broadcast %parallel_loop3A_298 : f32 to vector<16xf32>
        %parallel_loop3A_300 = arith.mulf %parallel_loop3A_297, %parallel_loop3A_299 : vector<16xf32>
        %parallel_loop3A_301 = arith.index_cast %parallel_loop3A_293 : i32 to index
        %parallel_loop3A_302 = arith.constant 0 : index
        %parallel_loop3A_303 = tpu.vector_load %arg6[%parallel_loop3A_301, %parallel_loop3A_302] {strides = array<i32>} : memref<128x64xf32, #tpu.memory_space<vmem>>, vector<1x16xf32>,
        %parallel_loop3A_304 = vector.shape_cast %parallel_loop3A_303 : vector<1x16xf32> to vector<16xf32>
        %parallel_loop3A_305 = vector.shape_cast %parallel_loop3A_300 : vector<16xf32> to vector<1x16xf32>
        tpu.vector_store %arg6[%parallel_loop3A_301, %parallel_loop3A_302], %parallel_loop3A_305 {strides = array<i32>} : memref<128x64xf32, #tpu.memory_space<vmem>>, vector<1x16xf32>,
        %parallel_loop3A_306 = arith.index_cast %parallel_loop3A_293 : i32 to index
        %parallel_loop3A_307 = arith.constant 16 : index
        %parallel_loop3A_308 = tpu.vector_load %arg6[%parallel_loop3A_306, %parallel_loop3A_307] {strides = array<i32>} : memref<128x64xf32, #tpu.memory_space<vmem>>, vector<1x16xf32>,
        %parallel_loop3A_309 = vector.shape_cast %parallel_loop3A_308 : vector<1x16xf32> to vector<16xf32>
        %parallel_loop3A_310 = arith.constant 8.000000e+00 : f32
        %parallel_loop3A_311 = vector.broadcast %parallel_loop3A_310 : f32 to vector<16xf32>
        %parallel_loop3A_312 = arith.mulf %parallel_loop3A_309, %parallel_loop3A_311 : vector<16xf32>
        %parallel_loop3A_313 = arith.index_cast %parallel_loop3A_293 : i32 to index
        %parallel_loop3A_314 = arith.constant 16 : index
        %parallel_loop3A_315 = tpu.vector_load %arg6[%parallel_loop3A_313, %parallel_loop3A_314] {strides = array<i32>} : memref<128x64xf32, #tpu.memory_space<vmem>>, vector<1x16xf32>,
        %parallel_loop3A_316 = vector.shape_cast %parallel_loop3A_315 : vector<1x16xf32> to vector<16xf32>
        %parallel_loop3A_317 = vector.shape_cast %parallel_loop3A_312 : vector<16xf32> to vector<1x16xf32>
        tpu.vector_store %arg6[%parallel_loop3A_313, %parallel_loop3A_314], %parallel_loop3A_317 {strides = array<i32>} : memref<128x64xf32, #tpu.memory_space<vmem>>, vector<1x16xf32>,
        %parallel_loop3A_318 = arith.index_cast %parallel_loop3A_293 : i32 to index
        %parallel_loop3A_319 = arith.constant 32 : index
        %parallel_loop3A_320 = tpu.vector_load %arg6[%parallel_loop3A_318, %parallel_loop3A_319] {strides = array<i32>} : memref<128x64xf32, #tpu.memory_space<vmem>>, vector<1x16xf32>,
        %parallel_loop3A_321 = vector.shape_cast %parallel_loop3A_320 : vector<1x16xf32> to vector<16xf32>
        %parallel_loop3A_322 = arith.constant 8.000000e+00 : f32
        %parallel_loop3A_323 = vector.broadcast %parallel_loop3A_322 : f32 to vector<16xf32>
        %parallel_loop3A_324 = arith.mulf %parallel_loop3A_321, %parallel_loop3A_323 : vector<16xf32>
        %parallel_loop3A_325 = arith.index_cast %parallel_loop3A_293 : i32 to index
        %parallel_loop3A_326 = arith.constant 32 : index
        %parallel_loop3A_327 = tpu.vector_load %arg6[%parallel_loop3A_325, %parallel_loop3A_326] {strides = array<i32>} : memref<128x64xf32, #tpu.memory_space<vmem>>, vector<1x16xf32>,
        %parallel_loop3A_328 = vector.shape_cast %parallel_loop3A_327 : vector<1x16xf32> to vector<16xf32>
        %parallel_loop3A_329 = vector.shape_cast %parallel_loop3A_324 : vector<16xf32> to vector<1x16xf32>
        tpu.vector_store %arg6[%parallel_loop3A_325, %parallel_loop3A_326], %parallel_loop3A_329 {strides = array<i32>} : memref<128x64xf32, #tpu.memory_space<vmem>>, vector<1x16xf32>,
        %parallel_loop3A_330 = arith.index_cast %parallel_loop3A_293 : i32 to index
        %parallel_loop3A_331 = arith.constant 48 : index
        %parallel_loop3A_332 = tpu.vector_load %arg6[%parallel_loop3A_330, %parallel_loop3A_331] {strides = array<i32>} : memref<128x64xf32, #tpu.memory_space<vmem>>, vector<1x16xf32>,
        %parallel_loop3A_333 = vector.shape_cast %parallel_loop3A_332 : vector<1x16xf32> to vector<16xf32>
        %parallel_loop3A_334 = arith.constant 8.000000e+00 : f32
        %parallel_loop3A_335 = vector.broadcast %parallel_loop3A_334 : f32 to vector<16xf32>
        %parallel_loop3A_336 = arith.mulf %parallel_loop3A_333, %parallel_loop3A_335 : vector<16xf32>
        %parallel_loop3A_337 = arith.index_cast %parallel_loop3A_293 : i32 to index
        %parallel_loop3A_338 = arith.constant 48 : index
        %parallel_loop3A_339 = tpu.vector_load %arg6[%parallel_loop3A_337, %parallel_loop3A_338] {strides = array<i32>} : memref<128x64xf32, #tpu.memory_space<vmem>>, vector<1x16xf32>,
        %parallel_loop3A_340 = vector.shape_cast %parallel_loop3A_339 : vector<1x16xf32> to vector<16xf32>
        %parallel_loop3A_341 = vector.shape_cast %parallel_loop3A_336 : vector<16xf32> to vector<1x16xf32>
        tpu.vector_store %arg6[%parallel_loop3A_337, %parallel_loop3A_338], %parallel_loop3A_341 {strides = array<i32>} : memref<128x64xf32, #tpu.memory_space<vmem>>, vector<1x16xf32>,
      } {sc.loop_unroll_factor = 4 : i64, sc.parallel_access}
      %add3A_269 = arith.addi %mul3A_2, %add3A_259 : i32
      %mul3A_270 = arith.constant 128 : i32
      %mul3A_271 = arith.muli %add3A_269, %mul3A_270 : i32
      %dma_start3A_272 = arith.constant 0 : i32
      %dma_start3A_273 = tpu.memref_slice %arg4[%mul3A_271, %dma_start3A_272] : memref<819200x64xf32, #tpu.memory_space<hbm>> -> memref<128x64xf32, #tpu.memory_space<hbm>>
      %dma_start3A_274 = arith.constant 0 : i32
      %dma_start3A_275 = tpu.memref_slice %arg4[%mul3A_271, %dma_start3A_274] : memref<819200x64xf32, #tpu.memory_space<hbm>> -> memref<128x64xf32, #tpu.memory_space<hbm>>
      tpu.enqueue_dma source(%arg6 : memref<128x64xf32, #tpu.memory_space<vmem>>) target(%dma_start3A_275 : memref<128x64xf32, #tpu.memory_space<hbm>>) target_semaphore(%arg14 : memref<!tpu.dma_semaphore, #tpu.memory_space<semaphore_mem>>)
      %sub3A_276 = arith.constant 1 : i32
      %sub3A_277 = arith.subi %add3A_259, %sub3A_276 : i32
      %add3A_278 = arith.addi %mul3A_2, %sub3A_277 : i32
      %mul3A_279 = arith.constant 128 : i32
      %mul3A_280 = arith.muli %add3A_278, %mul3A_279 : i32
      %dma_wait3A_281 = arith.constant 0 : i32
      %dma_wait3A_282 = tpu.memref_slice %arg4[%mul3A_280, %dma_wait3A_281] : memref<819200x64xf32, #tpu.memory_space<hbm>> -> memref<128x64xf32, #tpu.memory_space<hbm>>
      %dma_wait3A_283 = arith.constant 0 : i32
      %dma_wait3A_284 = tpu.memref_slice %arg4[%mul3A_280, %dma_wait3A_283] : memref<819200x64xf32, #tpu.memory_space<hbm>> -> memref<128x64xf32, #tpu.memory_space<hbm>>
      tpu.wait_dma2 semaphore(%arg17 : memref<!tpu.dma_semaphore, #tpu.memory_space<semaphore_mem>>) src(%arg9 : memref<128x64xf32, #tpu.memory_space<vmem>>) dst(%dma_wait3A_284 : memref<128x64xf32, #tpu.memory_space<hbm>>)
      %add3A_285 = arith.constant 3 : i32
      %add3A_286 = arith.addi %add3A_259, %add3A_285 : i32
      %dma_start3A_287 = arith.constant 0 : i32
      %dma_start3A_288 = tpu.memref_slice %arg5[%add3A_286, %dma_start3A_287] : memref<200x128xi32, #tpu.memory_space<vmem>> -> memref<1x128xi32, #tpu.memory_space<vmem>>
      %dma_start3A_289 = tpu.memref_squeeze %dma_start3A_288 : memref<1x128xi32, #tpu.memory_space<vmem>> -> memref<128xi32, #tpu.memory_space<vmem>>
      %dma_start3A_290 = arith.constant 0 : i32
      %dma_start3A_291 = arith.constant 0 : i32
      %dma_start3A_292 = tpu.memref_slice %arg3[%dma_start3A_290, %dma_start3A_291] : memref<1000000x64xf32, #tpu.memory_space<hbm>> -> memref<1000000x64xf32, #tpu.memory_space<hbm>>
      tpu.enqueue_indirect_dma source(%dma_start3A_292 : memref<1000000x64xf32, #tpu.memory_space<hbm>>) target(%arg9 : memref<128x64xf32, #tpu.memory_space<vmem>>) offsets(%dma_start3A_289 : memref<128xi32, #tpu.memory_space<vmem>>) semaphore(%arg13 : memref<!tpu.dma_semaphore, #tpu.memory_space<semaphore_mem>>)
    }
    %scan3A_50 = arith.constant 49 : i32
    %dma_wait3A_51 = arith.constant 197 : i32
    %dma_wait3A_52 = arith.constant 0 : i32
    %dma_wait3A_53 = tpu.memref_slice %arg5[%dma_wait3A_51, %dma_wait3A_52] : memref<200x128xi32, #tpu.memory_space<vmem>> -> memref<1x128xi32, #tpu.memory_space<vmem>>
    %dma_wait3A_54 = tpu.memref_squeeze %dma_wait3A_53 : memref<1x128xi32, #tpu.memory_space<vmem>> -> memref<128xi32, #tpu.memory_space<vmem>>
    %dma_wait3A_55 = arith.constant 0 : i32
    %dma_wait3A_56 = arith.constant 0 : i32
    %dma_wait3A_57 = tpu.memref_slice %arg3[%dma_wait3A_55, %dma_wait3A_56] : memref<1000000x64xf32, #tpu.memory_space<hbm>> -> memref<1000000x64xf32, #tpu.memory_space<hbm>>
    tpu.wait_indirect_dma semaphore(%arg11 : memref<!tpu.dma_semaphore, #tpu.memory_space<semaphore_mem>>) src(%dma_wait3A_57 : memref<1000000x64xf32, #tpu.memory_space<hbm>>) dst(%arg7 : memref<128x64xf32, #tpu.memory_space<vmem>>)
    %parallel_loop3A_58 = arith.constant 0 : i32
    %parallel_loop3A_59 = arith.constant 128 : i32
    %parallel_loop3A_60 = arith.constant 1 : i32
    scf.for %parallel_loop3A_137 = %parallel_loop3A_58 to %parallel_loop3A_59 step %parallel_loop3A_60  : i32 {
      %parallel_loop3A_138 = arith.index_cast %parallel_loop3A_137 : i32 to index
      %parallel_loop3A_139 = arith.constant 0 : index
      %parallel_loop3A_140 = tpu.vector_load %arg7[%parallel_loop3A_138, %parallel_loop3A_139] {strides = array<i32>} : memref<128x64xf32, #tpu.memory_space<vmem>>, vector<1x16xf32>,
      %parallel_loop3A_141 = vector.shape_cast %parallel_loop3A_140 : vector<1x16xf32> to vector<16xf32>
      %parallel_loop3A_142 = arith.constant 8.000000e+00 : f32
      %parallel_loop3A_143 = vector.broadcast %parallel_loop3A_142 : f32 to vector<16xf32>
      %parallel_loop3A_144 = arith.mulf %parallel_loop3A_141, %parallel_loop3A_143 : vector<16xf32>
      %parallel_loop3A_145 = arith.index_cast %parallel_loop3A_137 : i32 to index
      %parallel_loop3A_146 = arith.constant 0 : index
      %parallel_loop3A_147 = tpu.vector_load %arg7[%parallel_loop3A_145, %parallel_loop3A_146] {strides = array<i32>} : memref<128x64xf32, #tpu.memory_space<vmem>>, vector<1x16xf32>,
      %parallel_loop3A_148 = vector.shape_cast %parallel_loop3A_147 : vector<1x16xf32> to vector<16xf32>
      %parallel_loop3A_149 = vector.shape_cast %parallel_loop3A_144 : vector<16xf32> to vector<1x16xf32>
      tpu.vector_store %arg7[%parallel_loop3A_145, %parallel_loop3A_146], %parallel_loop3A_149 {strides = array<i32>} : memref<128x64xf32, #tpu.memory_space<vmem>>, vector<1x16xf32>,
      %parallel_loop3A_150 = arith.index_cast %parallel_loop3A_137 : i32 to index
      %parallel_loop3A_151 = arith.constant 16 : index
      %parallel_loop3A_152 = tpu.vector_load %arg7[%parallel_loop3A_150, %parallel_loop3A_151] {strides = array<i32>} : memref<128x64xf32, #tpu.memory_space<vmem>>, vector<1x16xf32>,
      %parallel_loop3A_153 = vector.shape_cast %parallel_loop3A_152 : vector<1x16xf32> to vector<16xf32>
      %parallel_loop3A_154 = arith.constant 8.000000e+00 : f32
      %parallel_loop3A_155 = vector.broadcast %parallel_loop3A_154 : f32 to vector<16xf32>
      %parallel_loop3A_156 = arith.mulf %parallel_loop3A_153, %parallel_loop3A_155 : vector<16xf32>
      %parallel_loop3A_157 = arith.index_cast %parallel_loop3A_137 : i32 to index
      %parallel_loop3A_158 = arith.constant 16 : index
      %parallel_loop3A_159 = tpu.vector_load %arg7[%parallel_loop3A_157, %parallel_loop3A_158] {strides = array<i32>} : memref<128x64xf32, #tpu.memory_space<vmem>>, vector<1x16xf32>,
      %parallel_loop3A_160 = vector.shape_cast %parallel_loop3A_159 : vector<1x16xf32> to vector<16xf32>
      %parallel_loop3A_161 = vector.shape_cast %parallel_loop3A_156 : vector<16xf32> to vector<1x16xf32>
      tpu.vector_store %arg7[%parallel_loop3A_157, %parallel_loop3A_158], %parallel_loop3A_161 {strides = array<i32>} : memref<128x64xf32, #tpu.memory_space<vmem>>, vector<1x16xf32>,
      %parallel_loop3A_162 = arith.index_cast %parallel_loop3A_137 : i32 to index
      %parallel_loop3A_163 = arith.constant 32 : index
      %parallel_loop3A_164 = tpu.vector_load %arg7[%parallel_loop3A_162, %parallel_loop3A_163] {strides = array<i32>} : memref<128x64xf32, #tpu.memory_space<vmem>>, vector<1x16xf32>,
      %parallel_loop3A_165 = vector.shape_cast %parallel_loop3A_164 : vector<1x16xf32> to vector<16xf32>
      %parallel_loop3A_166 = arith.constant 8.000000e+00 : f32
      %parallel_loop3A_167 = vector.broadcast %parallel_loop3A_166 : f32 to vector<16xf32>
      %parallel_loop3A_168 = arith.mulf %parallel_loop3A_165, %parallel_loop3A_167 : vector<16xf32>
      %parallel_loop3A_169 = arith.index_cast %parallel_loop3A_137 : i32 to index
      %parallel_loop3A_170 = arith.constant 32 : index
      %parallel_loop3A_171 = tpu.vector_load %arg7[%parallel_loop3A_169, %parallel_loop3A_170] {strides = array<i32>} : memref<128x64xf32, #tpu.memory_space<vmem>>, vector<1x16xf32>,
      %parallel_loop3A_172 = vector.shape_cast %parallel_loop3A_171 : vector<1x16xf32> to vector<16xf32>
      %parallel_loop3A_173 = vector.shape_cast %parallel_loop3A_168 : vector<16xf32> to vector<1x16xf32>
      tpu.vector_store %arg7[%parallel_loop3A_169, %parallel_loop3A_170], %parallel_loop3A_173 {strides = array<i32>} : memref<128x64xf32, #tpu.memory_space<vmem>>, vector<1x16xf32>,
      %parallel_loop3A_174 = arith.index_cast %parallel_loop3A_137 : i32 to index
      %parallel_loop3A_175 = arith.constant 48 : index
      %parallel_loop3A_176 = tpu.vector_load %arg7[%parallel_loop3A_174, %parallel_loop3A_175] {strides = array<i32>} : memref<128x64xf32, #tpu.memory_space<vmem>>, vector<1x16xf32>,
      %parallel_loop3A_177 = vector.shape_cast %parallel_loop3A_176 : vector<1x16xf32> to vector<16xf32>
      %parallel_loop3A_178 = arith.constant 8.000000e+00 : f32
      %parallel_loop3A_179 = vector.broadcast %parallel_loop3A_178 : f32 to vector<16xf32>
      %parallel_loop3A_180 = arith.mulf %parallel_loop3A_177, %parallel_loop3A_179 : vector<16xf32>
      %parallel_loop3A_181 = arith.index_cast %parallel_loop3A_137 : i32 to index
      %parallel_loop3A_182 = arith.constant 48 : index
      %parallel_loop3A_183 = tpu.vector_load %arg7[%parallel_loop3A_181, %parallel_loop3A_182] {strides = array<i32>} : memref<128x64xf32, #tpu.memory_space<vmem>>, vector<1x16xf32>,
      %parallel_loop3A_184 = vector.shape_cast %parallel_loop3A_183 : vector<1x16xf32> to vector<16xf32>
      %parallel_loop3A_185 = vector.shape_cast %parallel_loop3A_180 : vector<16xf32> to vector<1x16xf32>
      tpu.vector_store %arg7[%parallel_loop3A_181, %parallel_loop3A_182], %parallel_loop3A_185 {strides = array<i32>} : memref<128x64xf32, #tpu.memory_space<vmem>>, vector<1x16xf32>,
    } {sc.loop_unroll_factor = 4 : i64, sc.parallel_access}
    %add3A_61 = arith.constant 197 : i32
    %add3A_62 = arith.addi %mul3A_2, %add3A_61 : i32
    %mul3A_63 = arith.constant 128 : i32
    %mul3A_64 = arith.muli %add3A_62, %mul3A_63 : i32
    %dma_start3A_65 = arith.constant 0 : i32
    %dma_start3A_66 = tpu.memref_slice %arg4[%mul3A_64, %dma_start3A_65] : memref<819200x64xf32, #tpu.memory_space<hbm>> -> memref<128x64xf32, #tpu.memory_space<hbm>>
    %dma_start3A_67 = arith.constant 0 : i32
    %dma_start3A_68 = tpu.memref_slice %arg4[%mul3A_64, %dma_start3A_67] : memref<819200x64xf32, #tpu.memory_space<hbm>> -> memref<128x64xf32, #tpu.memory_space<hbm>>
    tpu.enqueue_dma source(%arg7 : memref<128x64xf32, #tpu.memory_space<vmem>>) target(%dma_start3A_68 : memref<128x64xf32, #tpu.memory_space<hbm>>) target_semaphore(%arg15 : memref<!tpu.dma_semaphore, #tpu.memory_space<semaphore_mem>>)
    %dma_wait3A_69 = arith.constant 198 : i32
    %dma_wait3A_70 = arith.constant 0 : i32
    %dma_wait3A_71 = tpu.memref_slice %arg5[%dma_wait3A_69, %dma_wait3A_70] : memref<200x128xi32, #tpu.memory_space<vmem>> -> memref<1x128xi32, #tpu.memory_space<vmem>>
    %dma_wait3A_72 = tpu.memref_squeeze %dma_wait3A_71 : memref<1x128xi32, #tpu.memory_space<vmem>> -> memref<128xi32, #tpu.memory_space<vmem>>
    %dma_wait3A_73 = arith.constant 0 : i32
    %dma_wait3A_74 = arith.constant 0 : i32
    %dma_wait3A_75 = tpu.memref_slice %arg3[%dma_wait3A_73, %dma_wait3A_74] : memref<1000000x64xf32, #tpu.memory_space<hbm>> -> memref<1000000x64xf32, #tpu.memory_space<hbm>>
    tpu.wait_indirect_dma semaphore(%arg12 : memref<!tpu.dma_semaphore, #tpu.memory_space<semaphore_mem>>) src(%dma_wait3A_75 : memref<1000000x64xf32, #tpu.memory_space<hbm>>) dst(%arg8 : memref<128x64xf32, #tpu.memory_space<vmem>>)
    %parallel_loop3A_76 = arith.constant 0 : i32
    %parallel_loop3A_77 = arith.constant 128 : i32
    %parallel_loop3A_78 = arith.constant 1 : i32
    scf.for %parallel_loop3A_137 = %parallel_loop3A_76 to %parallel_loop3A_77 step %parallel_loop3A_78  : i32 {
      %parallel_loop3A_138 = arith.index_cast %parallel_loop3A_137 : i32 to index
      %parallel_loop3A_139 = arith.constant 0 : index
      %parallel_loop3A_140 = tpu.vector_load %arg8[%parallel_loop3A_138, %parallel_loop3A_139] {strides = array<i32>} : memref<128x64xf32, #tpu.memory_space<vmem>>, vector<1x16xf32>,
      %parallel_loop3A_141 = vector.shape_cast %parallel_loop3A_140 : vector<1x16xf32> to vector<16xf32>
      %parallel_loop3A_142 = arith.constant 8.000000e+00 : f32
      %parallel_loop3A_143 = vector.broadcast %parallel_loop3A_142 : f32 to vector<16xf32>
      %parallel_loop3A_144 = arith.mulf %parallel_loop3A_141, %parallel_loop3A_143 : vector<16xf32>
      %parallel_loop3A_145 = arith.index_cast %parallel_loop3A_137 : i32 to index
      %parallel_loop3A_146 = arith.constant 0 : index
      %parallel_loop3A_147 = tpu.vector_load %arg8[%parallel_loop3A_145, %parallel_loop3A_146] {strides = array<i32>} : memref<128x64xf32, #tpu.memory_space<vmem>>, vector<1x16xf32>,
      %parallel_loop3A_148 = vector.shape_cast %parallel_loop3A_147 : vector<1x16xf32> to vector<16xf32>
      %parallel_loop3A_149 = vector.shape_cast %parallel_loop3A_144 : vector<16xf32> to vector<1x16xf32>
      tpu.vector_store %arg8[%parallel_loop3A_145, %parallel_loop3A_146], %parallel_loop3A_149 {strides = array<i32>} : memref<128x64xf32, #tpu.memory_space<vmem>>, vector<1x16xf32>,
      %parallel_loop3A_150 = arith.index_cast %parallel_loop3A_137 : i32 to index
      %parallel_loop3A_151 = arith.constant 16 : index
      %parallel_loop3A_152 = tpu.vector_load %arg8[%parallel_loop3A_150, %parallel_loop3A_151] {strides = array<i32>} : memref<128x64xf32, #tpu.memory_space<vmem>>, vector<1x16xf32>,
      %parallel_loop3A_153 = vector.shape_cast %parallel_loop3A_152 : vector<1x16xf32> to vector<16xf32>
      %parallel_loop3A_154 = arith.constant 8.000000e+00 : f32
      %parallel_loop3A_155 = vector.broadcast %parallel_loop3A_154 : f32 to vector<16xf32>
      %parallel_loop3A_156 = arith.mulf %parallel_loop3A_153, %parallel_loop3A_155 : vector<16xf32>
      %parallel_loop3A_157 = arith.index_cast %parallel_loop3A_137 : i32 to index
      %parallel_loop3A_158 = arith.constant 16 : index
      %parallel_loop3A_159 = tpu.vector_load %arg8[%parallel_loop3A_157, %parallel_loop3A_158] {strides = array<i32>} : memref<128x64xf32, #tpu.memory_space<vmem>>, vector<1x16xf32>,
      %parallel_loop3A_160 = vector.shape_cast %parallel_loop3A_159 : vector<1x16xf32> to vector<16xf32>
      %parallel_loop3A_161 = vector.shape_cast %parallel_loop3A_156 : vector<16xf32> to vector<1x16xf32>
      tpu.vector_store %arg8[%parallel_loop3A_157, %parallel_loop3A_158], %parallel_loop3A_161 {strides = array<i32>} : memref<128x64xf32, #tpu.memory_space<vmem>>, vector<1x16xf32>,
      %parallel_loop3A_162 = arith.index_cast %parallel_loop3A_137 : i32 to index
      %parallel_loop3A_163 = arith.constant 32 : index
      %parallel_loop3A_164 = tpu.vector_load %arg8[%parallel_loop3A_162, %parallel_loop3A_163] {strides = array<i32>} : memref<128x64xf32, #tpu.memory_space<vmem>>, vector<1x16xf32>,
      %parallel_loop3A_165 = vector.shape_cast %parallel_loop3A_164 : vector<1x16xf32> to vector<16xf32>
      %parallel_loop3A_166 = arith.constant 8.000000e+00 : f32
      %parallel_loop3A_167 = vector.broadcast %parallel_loop3A_166 : f32 to vector<16xf32>
      %parallel_loop3A_168 = arith.mulf %parallel_loop3A_165, %parallel_loop3A_167 : vector<16xf32>
      %parallel_loop3A_169 = arith.index_cast %parallel_loop3A_137 : i32 to index
      %parallel_loop3A_170 = arith.constant 32 : index
      %parallel_loop3A_171 = tpu.vector_load %arg8[%parallel_loop3A_169, %parallel_loop3A_170] {strides = array<i32>} : memref<128x64xf32, #tpu.memory_space<vmem>>, vector<1x16xf32>,
      %parallel_loop3A_172 = vector.shape_cast %parallel_loop3A_171 : vector<1x16xf32> to vector<16xf32>
      %parallel_loop3A_173 = vector.shape_cast %parallel_loop3A_168 : vector<16xf32> to vector<1x16xf32>
      tpu.vector_store %arg8[%parallel_loop3A_169, %parallel_loop3A_170], %parallel_loop3A_173 {strides = array<i32>} : memref<128x64xf32, #tpu.memory_space<vmem>>, vector<1x16xf32>,
      %parallel_loop3A_174 = arith.index_cast %parallel_loop3A_137 : i32 to index
      %parallel_loop3A_175 = arith.constant 48 : index
      %parallel_loop3A_176 = tpu.vector_load %arg8[%parallel_loop3A_174, %parallel_loop3A_175] {strides = array<i32>} : memref<128x64xf32, #tpu.memory_space<vmem>>, vector<1x16xf32>,
      %parallel_loop3A_177 = vector.shape_cast %parallel_loop3A_176 : vector<1x16xf32> to vector<16xf32>
      %parallel_loop3A_178 = arith.constant 8.000000e+00 : f32
      %parallel_loop3A_179 = vector.broadcast %parallel_loop3A_178 : f32 to vector<16xf32>
      %parallel_loop3A_180 = arith.mulf %parallel_loop3A_177, %parallel_loop3A_179 : vector<16xf32>
      %parallel_loop3A_181 = arith.index_cast %parallel_loop3A_137 : i32 to index
      %parallel_loop3A_182 = arith.constant 48 : index
      %parallel_loop3A_183 = tpu.vector_load %arg8[%parallel_loop3A_181, %parallel_loop3A_182] {strides = array<i32>} : memref<128x64xf32, #tpu.memory_space<vmem>>, vector<1x16xf32>,
      %parallel_loop3A_184 = vector.shape_cast %parallel_loop3A_183 : vector<1x16xf32> to vector<16xf32>
      %parallel_loop3A_185 = vector.shape_cast %parallel_loop3A_180 : vector<16xf32> to vector<1x16xf32>
      tpu.vector_store %arg8[%parallel_loop3A_181, %parallel_loop3A_182], %parallel_loop3A_185 {strides = array<i32>} : memref<128x64xf32, #tpu.memory_space<vmem>>, vector<1x16xf32>,
    } {sc.loop_unroll_factor = 4 : i64, sc.parallel_access}
    %add3A_79 = arith.constant 198 : i32
    %add3A_80 = arith.addi %mul3A_2, %add3A_79 : i32
    %mul3A_81 = arith.constant 128 : i32
    %mul3A_82 = arith.muli %add3A_80, %mul3A_81 : i32
    %dma_start3A_83 = arith.constant 0 : i32
    %dma_start3A_84 = tpu.memref_slice %arg4[%mul3A_82, %dma_start3A_83] : memref<819200x64xf32, #tpu.memory_space<hbm>> -> memref<128x64xf32, #tpu.memory_space<hbm>>
    %dma_start3A_85 = arith.constant 0 : i32
    %dma_start3A_86 = tpu.memref_slice %arg4[%mul3A_82, %dma_start3A_85] : memref<819200x64xf32, #tpu.memory_space<hbm>> -> memref<128x64xf32, #tpu.memory_space<hbm>>
    tpu.enqueue_dma source(%arg8 : memref<128x64xf32, #tpu.memory_space<vmem>>) target(%dma_start3A_86 : memref<128x64xf32, #tpu.memory_space<hbm>>) target_semaphore(%arg16 : memref<!tpu.dma_semaphore, #tpu.memory_space<semaphore_mem>>)
    %dma_wait3A_87 = arith.constant 199 : i32
    %dma_wait3A_88 = arith.constant 0 : i32
    %dma_wait3A_89 = tpu.memref_slice %arg5[%dma_wait3A_87, %dma_wait3A_88] : memref<200x128xi32, #tpu.memory_space<vmem>> -> memref<1x128xi32, #tpu.memory_space<vmem>>
    %dma_wait3A_90 = tpu.memref_squeeze %dma_wait3A_89 : memref<1x128xi32, #tpu.memory_space<vmem>> -> memref<128xi32, #tpu.memory_space<vmem>>
    %dma_wait3A_91 = arith.constant 0 : i32
    %dma_wait3A_92 = arith.constant 0 : i32
    %dma_wait3A_93 = tpu.memref_slice %arg3[%dma_wait3A_91, %dma_wait3A_92] : memref<1000000x64xf32, #tpu.memory_space<hbm>> -> memref<1000000x64xf32, #tpu.memory_space<hbm>>
    tpu.wait_indirect_dma semaphore(%arg13 : memref<!tpu.dma_semaphore, #tpu.memory_space<semaphore_mem>>) src(%dma_wait3A_93 : memref<1000000x64xf32, #tpu.memory_space<hbm>>) dst(%arg9 : memref<128x64xf32, #tpu.memory_space<vmem>>)
    %parallel_loop3A_94 = arith.constant 0 : i32
    %parallel_loop3A_95 = arith.constant 128 : i32
    %parallel_loop3A_96 = arith.constant 1 : i32
    scf.for %parallel_loop3A_137 = %parallel_loop3A_94 to %parallel_loop3A_95 step %parallel_loop3A_96  : i32 {
      %parallel_loop3A_138 = arith.index_cast %parallel_loop3A_137 : i32 to index
      %parallel_loop3A_139 = arith.constant 0 : index
      %parallel_loop3A_140 = tpu.vector_load %arg9[%parallel_loop3A_138, %parallel_loop3A_139] {strides = array<i32>} : memref<128x64xf32, #tpu.memory_space<vmem>>, vector<1x16xf32>,
      %parallel_loop3A_141 = vector.shape_cast %parallel_loop3A_140 : vector<1x16xf32> to vector<16xf32>
      %parallel_loop3A_142 = arith.constant 8.000000e+00 : f32
      %parallel_loop3A_143 = vector.broadcast %parallel_loop3A_142 : f32 to vector<16xf32>
      %parallel_loop3A_144 = arith.mulf %parallel_loop3A_141, %parallel_loop3A_143 : vector<16xf32>
      %parallel_loop3A_145 = arith.index_cast %parallel_loop3A_137 : i32 to index
      %parallel_loop3A_146 = arith.constant 0 : index
      %parallel_loop3A_147 = tpu.vector_load %arg9[%parallel_loop3A_145, %parallel_loop3A_146] {strides = array<i32>} : memref<128x64xf32, #tpu.memory_space<vmem>>, vector<1x16xf32>,
      %parallel_loop3A_148 = vector.shape_cast %parallel_loop3A_147 : vector<1x16xf32> to vector<16xf32>
      %parallel_loop3A_149 = vector.shape_cast %parallel_loop3A_144 : vector<16xf32> to vector<1x16xf32>
      tpu.vector_store %arg9[%parallel_loop3A_145, %parallel_loop3A_146], %parallel_loop3A_149 {strides = array<i32>} : memref<128x64xf32, #tpu.memory_space<vmem>>, vector<1x16xf32>,
      %parallel_loop3A_150 = arith.index_cast %parallel_loop3A_137 : i32 to index
      %parallel_loop3A_151 = arith.constant 16 : index
      %parallel_loop3A_152 = tpu.vector_load %arg9[%parallel_loop3A_150, %parallel_loop3A_151] {strides = array<i32>} : memref<128x64xf32, #tpu.memory_space<vmem>>, vector<1x16xf32>,
      %parallel_loop3A_153 = vector.shape_cast %parallel_loop3A_152 : vector<1x16xf32> to vector<16xf32>
      %parallel_loop3A_154 = arith.constant 8.000000e+00 : f32
      %parallel_loop3A_155 = vector.broadcast %parallel_loop3A_154 : f32 to vector<16xf32>
      %parallel_loop3A_156 = arith.mulf %parallel_loop3A_153, %parallel_loop3A_155 : vector<16xf32>
      %parallel_loop3A_157 = arith.index_cast %parallel_loop3A_137 : i32 to index
      %parallel_loop3A_158 = arith.constant 16 : index
      %parallel_loop3A_159 = tpu.vector_load %arg9[%parallel_loop3A_157, %parallel_loop3A_158] {strides = array<i32>} : memref<128x64xf32, #tpu.memory_space<vmem>>, vector<1x16xf32>,
      %parallel_loop3A_160 = vector.shape_cast %parallel_loop3A_159 : vector<1x16xf32> to vector<16xf32>
      %parallel_loop3A_161 = vector.shape_cast %parallel_loop3A_156 : vector<16xf32> to vector<1x16xf32>
      tpu.vector_store %arg9[%parallel_loop3A_157, %parallel_loop3A_158], %parallel_loop3A_161 {strides = array<i32>} : memref<128x64xf32, #tpu.memory_space<vmem>>, vector<1x16xf32>,
      %parallel_loop3A_162 = arith.index_cast %parallel_loop3A_137 : i32 to index
      %parallel_loop3A_163 = arith.constant 32 : index
      %parallel_loop3A_164 = tpu.vector_load %arg9[%parallel_loop3A_162, %parallel_loop3A_163] {strides = array<i32>} : memref<128x64xf32, #tpu.memory_space<vmem>>, vector<1x16xf32>,
      %parallel_loop3A_165 = vector.shape_cast %parallel_loop3A_164 : vector<1x16xf32> to vector<16xf32>
      %parallel_loop3A_166 = arith.constant 8.000000e+00 : f32
      %parallel_loop3A_167 = vector.broadcast %parallel_loop3A_166 : f32 to vector<16xf32>
      %parallel_loop3A_168 = arith.mulf %parallel_loop3A_165, %parallel_loop3A_167 : vector<16xf32>
      %parallel_loop3A_169 = arith.index_cast %parallel_loop3A_137 : i32 to index
      %parallel_loop3A_170 = arith.constant 32 : index
      %parallel_loop3A_171 = tpu.vector_load %arg9[%parallel_loop3A_169, %parallel_loop3A_170] {strides = array<i32>} : memref<128x64xf32, #tpu.memory_space<vmem>>, vector<1x16xf32>,
      %parallel_loop3A_172 = vector.shape_cast %parallel_loop3A_171 : vector<1x16xf32> to vector<16xf32>
      %parallel_loop3A_173 = vector.shape_cast %parallel_loop3A_168 : vector<16xf32> to vector<1x16xf32>
      tpu.vector_store %arg9[%parallel_loop3A_169, %parallel_loop3A_170], %parallel_loop3A_173 {strides = array<i32>} : memref<128x64xf32, #tpu.memory_space<vmem>>, vector<1x16xf32>,
      %parallel_loop3A_174 = arith.index_cast %parallel_loop3A_137 : i32 to index
      %parallel_loop3A_175 = arith.constant 48 : index
      %parallel_loop3A_176 = tpu.vector_load %arg9[%parallel_loop3A_174, %parallel_loop3A_175] {strides = array<i32>} : memref<128x64xf32, #tpu.memory_space<vmem>>, vector<1x16xf32>,
      %parallel_loop3A_177 = vector.shape_cast %parallel_loop3A_176 : vector<1x16xf32> to vector<16xf32>
      %parallel_loop3A_178 = arith.constant 8.000000e+00 : f32
      %parallel_loop3A_179 = vector.broadcast %parallel_loop3A_178 : f32 to vector<16xf32>
      %parallel_loop3A_180 = arith.mulf %parallel_loop3A_177, %parallel_loop3A_179 : vector<16xf32>
      %parallel_loop3A_181 = arith.index_cast %parallel_loop3A_137 : i32 to index
      %parallel_loop3A_182 = arith.constant 48 : index
      %parallel_loop3A_183 = tpu.vector_load %arg9[%parallel_loop3A_181, %parallel_loop3A_182] {strides = array<i32>} : memref<128x64xf32, #tpu.memory_space<vmem>>, vector<1x16xf32>,
      %parallel_loop3A_184 = vector.shape_cast %parallel_loop3A_183 : vector<1x16xf32> to vector<16xf32>
      %parallel_loop3A_185 = vector.shape_cast %parallel_loop3A_180 : vector<16xf32> to vector<1x16xf32>
      tpu.vector_store %arg9[%parallel_loop3A_181, %parallel_loop3A_182], %parallel_loop3A_185 {strides = array<i32>} : memref<128x64xf32, #tpu.memory_space<vmem>>, vector<1x16xf32>,
    } {sc.loop_unroll_factor = 4 : i64, sc.parallel_access}
    %add3A_97 = arith.constant 199 : i32
    %add3A_98 = arith.addi %mul3A_2, %add3A_97 : i32
    %mul3A_99 = arith.constant 128 : i32
    %mul3A_100 = arith.muli %add3A_98, %mul3A_99 : i32
    %dma_start3A_101 = arith.constant 0 : i32
    %dma_start3A_102 = tpu.memref_slice %arg4[%mul3A_100, %dma_start3A_101] : memref<819200x64xf32, #tpu.memory_space<hbm>> -> memref<128x64xf32, #tpu.memory_space<hbm>>
    %dma_start3A_103 = arith.constant 0 : i32
    %dma_start3A_104 = tpu.memref_slice %arg4[%mul3A_100, %dma_start3A_103] : memref<819200x64xf32, #tpu.memory_space<hbm>> -> memref<128x64xf32, #tpu.memory_space<hbm>>
    tpu.enqueue_dma source(%arg9 : memref<128x64xf32, #tpu.memory_space<vmem>>) target(%dma_start3A_104 : memref<128x64xf32, #tpu.memory_space<hbm>>) target_semaphore(%arg17 : memref<!tpu.dma_semaphore, #tpu.memory_space<semaphore_mem>>)
    %add3A_105 = arith.constant 196 : i32
    %add3A_106 = arith.addi %mul3A_2, %add3A_105 : i32
    %mul3A_107 = arith.constant 128 : i32
    %mul3A_108 = arith.muli %add3A_106, %mul3A_107 : i32
    %dma_wait3A_109 = arith.constant 0 : i32
    %dma_wait3A_110 = tpu.memref_slice %arg4[%mul3A_108, %dma_wait3A_109] : memref<819200x64xf32, #tpu.memory_space<hbm>> -> memref<128x64xf32, #tpu.memory_space<hbm>>
    %dma_wait3A_111 = arith.constant 0 : i32
    %dma_wait3A_112 = tpu.memref_slice %arg4[%mul3A_108, %dma_wait3A_111] : memref<819200x64xf32, #tpu.memory_space<hbm>> -> memref<128x64xf32, #tpu.memory_space<hbm>>
    tpu.wait_dma2 semaphore(%arg14 : memref<!tpu.dma_semaphore, #tpu.memory_space<semaphore_mem>>) src(%arg6 : memref<128x64xf32, #tpu.memory_space<vmem>>) dst(%dma_wait3A_112 : memref<128x64xf32, #tpu.memory_space<hbm>>)
    %add3A_113 = arith.constant 197 : i32
    %add3A_114 = arith.addi %mul3A_2, %add3A_113 : i32
    %mul3A_115 = arith.constant 128 : i32
    %mul3A_116 = arith.muli %add3A_114, %mul3A_115 : i32
    %dma_wait3A_117 = arith.constant 0 : i32
    %dma_wait3A_118 = tpu.memref_slice %arg4[%mul3A_116, %dma_wait3A_117] : memref<819200x64xf32, #tpu.memory_space<hbm>> -> memref<128x64xf32, #tpu.memory_space<hbm>>
    %dma_wait3A_119 = arith.constant 0 : i32
    %dma_wait3A_120 = tpu.memref_slice %arg4[%mul3A_116, %dma_wait3A_119] : memref<819200x64xf32, #tpu.memory_space<hbm>> -> memref<128x64xf32, #tpu.memory_space<hbm>>
    tpu.wait_dma2 semaphore(%arg15 : memref<!tpu.dma_semaphore, #tpu.memory_space<semaphore_mem>>) src(%arg7 : memref<128x64xf32, #tpu.memory_space<vmem>>) dst(%dma_wait3A_120 : memref<128x64xf32, #tpu.memory_space<hbm>>)
    %add3A_121 = arith.constant 198 : i32
    %add3A_122 = arith.addi %mul3A_2, %add3A_121 : i32
    %mul3A_123 = arith.constant 128 : i32
    %mul3A_124 = arith.muli %add3A_122, %mul3A_123 : i32
    %dma_wait3A_125 = arith.constant 0 : i32
    %dma_wait3A_126 = tpu.memref_slice %arg4[%mul3A_124, %dma_wait3A_125] : memref<819200x64xf32, #tpu.memory_space<hbm>> -> memref<128x64xf32, #tpu.memory_space<hbm>>
    %dma_wait3A_127 = arith.constant 0 : i32
    %dma_wait3A_128 = tpu.memref_slice %arg4[%mul3A_124, %dma_wait3A_127] : memref<819200x64xf32, #tpu.memory_space<hbm>> -> memref<128x64xf32, #tpu.memory_space<hbm>>
    tpu.wait_dma2 semaphore(%arg16 : memref<!tpu.dma_semaphore, #tpu.memory_space<semaphore_mem>>) src(%arg8 : memref<128x64xf32, #tpu.memory_space<vmem>>) dst(%dma_wait3A_128 : memref<128x64xf32, #tpu.memory_space<hbm>>)
    %add3A_129 = arith.constant 199 : i32
    %add3A_130 = arith.addi %mul3A_2, %add3A_129 : i32
    %mul3A_131 = arith.constant 128 : i32
    %mul3A_132 = arith.muli %add3A_130, %mul3A_131 : i32
    %dma_wait3A_133 = arith.constant 0 : i32
    %dma_wait3A_134 = tpu.memref_slice %arg4[%mul3A_132, %dma_wait3A_133] : memref<819200x64xf32, #tpu.memory_space<hbm>> -> memref<128x64xf32, #tpu.memory_space<hbm>>
    %dma_wait3A_135 = arith.constant 0 : i32
    %dma_wait3A_136 = tpu.memref_slice %arg4[%mul3A_132, %dma_wait3A_135] : memref<819200x64xf32, #tpu.memory_space<hbm>> -> memref<128x64xf32, #tpu.memory_space<hbm>>
    tpu.wait_dma2 semaphore(%arg17 : memref<!tpu.dma_semaphore, #tpu.memory_space<semaphore_mem>>) src(%arg9 : memref<128x64xf32, #tpu.memory_space<vmem>>) dst(%dma_wait3A_136 : memref<128x64xf32, #tpu.memory_space<hbm>>)
    return
  }
}

</mosaic_0001>

<sc_bundles>
// kernel: kernel.3.cloned.1.call-start
scs
__scs_entry_jumppad:
0x0: {  	(pc) =	sbr.rel $0x88, $3  }
0x1: {  	(tag) =	ssettag $0x0;
	lr =	simm.s32 $0x1  }
0x2: {  	[smem:$0x3F9F] =	sst lr;
	_ =	strace $0xD0000000  }
0x3: {  	_ = 	snop  }
0x4: {  	_ = 	snop  }
0x5: {  	_ = 	snop  }
0x6: {  	_ = 	snop  }
0x7: {  	_ = 	snop  }
__scs_overlays_trampoline_lowered:
0x8: {  	[smem:$0x3FAE] =	sst s0  }
0x9: {  	[smem:$0x3FAF] =	sst s1  }
0xa: {  	[smem:$0x3FB0] =	sst s2  }
0xb: {  	[smem:$0x3FB1] =	sst s3  }
0xc: {  	[smem:$0x3FB2] =	sst s4  }
0xd: {  	[smem:$0x3FB3] =	sst s5  }
0xe: {  	[smem:$0x3FB4] =	sst s6  }
0xf: {  	[smem:$0x3FB5] =	sst s7  }
0x10: {  	[smem:$0x3FB6] =	sst s8  }
0x11: {  	[smem:$0x3FB7] =	sst s9;
	s0 =	simm.s32 @!p0 $0x0  }
0x12: {  	s1 =	sld [smem:$0x3F9D];
	s0 =	simm.s32 @p0 $0x1  }
0x13: {  	[smem:$0x3FB8] =	sst s0;
	s0 =	simm.s32 @!p1 $0x0  }
0x14: {  	s2 =	sld [smem:$0x3F9C];
	s0 =	simm.s32 @p1 $0x1  }
0x15: {  	[smem:$0x3FB9] =	sst s0;
	s0 =	simm.s32 @!p2 $0x0  }
0x16: {  	s3 =	sld [smem:$0x3FDB];
	s0 =	simm.s32 @p2 $0x1  }
0x17: {  	s4 =	simm.s32 $0x1BF5;
	[smem:$0x3FBB] =	sst s0  }
0x18: {  	s0 =	sld [smem:$0x3F9E];
	_ =	swait.ge [sflag:s4], $0x0  }
0x19: {  	s7 =	sld [smem:$0x3F9F]  }
0x1a: {  	s8 =	sadd.s32 $0xFFFFE003, lr  }
0x1b: {  	s9 =	sadd.s32 $0xFFFFFEF7, lr;
	s5 =	simm.s32 $0xFFFFFFFF;
	p2 =	slt.u32 s8, $0xFFFFF086  }
0x1c: {  	p1 =	slt.u32 s9, $0xF7A;
	s5 =	simm.s32 @!p2 $0x0  }
0x1d: {  	s5 =	simm.s32 @p1 $0x1;
	p0 =	seq.s32 s7, s2  }
0x1e: {  	s7 =	smul.u32 @!p0 $0xF7A, s2;
	p2 =	seq.s32 @!p0 s5, $0x0  }
0x1f: {  	s9 =	smul.u32 $0xF7A, s1;
	s8 =	simm.s32 @!p0 $0x1BF5;
	p2 =	por !p2, p0  }
0x20: {  	[sflag:s8] =	ssyncset.s32 @!p0 $0xFFFFF086;
	s6 =	sadd.s32 @!p0 s3, s7;
	s7 =	simm.s32 @!p0 $0x108  }
0x21: {  	s3 =	sadd.s32 s3, s9;
	s6 =	sadd.s32 @!p0 $0x88, s6;
	s7 =	simm.s32 @p2 $0x1082  }
0x22: {  	[simem:s7], [sflag:s8] =	dma.local @!p0 [hbm:s6], $0xF7A  }
0x23: {  	s9 =	sor.u32 $0xD0000000, s2;
	s6 =	simm.s32 $0x108;
	_ =	swait.ge @!p0 [sflag:s8], $0x0  }
0x24: {  	s3 =	sadd.s32 $0x88, s3;
	s6 =	simm.s32 @!p1 $0x1082;
	[sflag:s4] =	ssyncset.s32 $0xFFFFF086  }
0x25: {  	[simem:s6], [sflag:s4] =	dma.local [hbm:s3], $0xF7A  }
0x26: {  	[smem:$0x3F9F] =	sst s1;
	(tag) =	ssettag s2;
	_ =	strace s9  }
0x27: {  	s1 =	sld [smem:$0x3FAF]  }
0x28: {  	s2 =	sld [smem:$0x3FB0]  }
0x29: {  	s4 =	sld [smem:$0x3FB2]  }
0x2a: {  	p0 =	seq.s32 s5, $0x0;
	s5 =	sld [smem:$0x3FB3]  }
0x2b: {  	s6 =	sld [smem:$0x3FB4]  }
0x2c: {  	s7 =	sld [smem:$0x3FB5]  }
0x2d: {  	s3 =	simm.s32 $0x108;
	s8 =	sld [smem:$0x3FB6]  }
0x2e: {  	s3 =	simm.s32 @!p0 $0x1082;
	s9 =	sld [smem:$0x3FB7]  }
0x2f: {  	lr =	sadd.s32 s0, s3;
	s0 =	sld [smem:$0x3FAE]  }
0x30: {  	s3 =	sld [smem:$0x3FB1]  }
0x31: {  	[smem:$0x3FBA] =	sst s10  }
0x32: {  	s10 =	sld [smem:$0x3FB8];
	_ =	sdelay $0x3  }
0x33: {  	p0 =	seq.s32 s10, $0x1;
	s10 =	sld [smem:$0x3FBA];
	_ =	sdelay $0x3  }
0x34: {  	[smem:$0x3FBA] =	sst s10  }
0x35: {  	s10 =	sld [smem:$0x3FB9];
	_ =	sdelay $0x3  }
0x36: {  	p1 =	seq.s32 s10, $0x1;
	s10 =	sld [smem:$0x3FBA];
	_ =	sdelay $0x3  }
0x37: {  	[smem:$0x3FBA] =	sst s10  }
0x38: {  	s10 =	sld [smem:$0x3FBB]  }
0x39: {  	_ = 	snop;
	(pc) =	sbr.ind lr, $3  }
0x3a: {  	_ = 	snop  }
0x3b: {  	_ = 	snop  }
0x3c: {  	p2 =	seq.s32 s10, $0x1;
	s10 =	sld [smem:$0x3FBA]  }
0x3d: {  	_ =	shalt  }
0x3e: {  	_ =	shalt  }
0x3f: {  	_ =	shalt  }
0x40: {  	_ =	shalt  }
0x41: {  	_ =	shalt  }
0x42: {  	_ =	shalt  }
0x43: {  	_ =	shalt  }
0x44: {  	_ =	shalt  }
0x45: {  	_ =	shalt  }
0x46: {  	_ =	shalt  }
0x47: {  	_ =	shalt  }
0x48: {  	_ =	shalt  }
0x49: {  	_ =	shalt  }
0x4a: {  	_ =	shalt  }
0x4b: {  	_ =	shalt  }
0x4c: {  	_ =	shalt  }
0x4d: {  	_ =	shalt  }
0x4e: {  	_ =	shalt  }
0x4f: {  	_ =	shalt  }
0x50: {  	_ =	shalt  }
0x51: {  	_ =	shalt  }
0x52: {  	_ =	shalt  }
0x53: {  	_ =	shalt  }
0x54: {  	_ =	shalt  }
0x55: {  	_ =	shalt  }
0x56: {  	_ =	shalt  }
0x57: {  	_ =	shalt  }
0x58: {  	_ =	shalt  }
0x59: {  	_ =	shalt  }
0x5a: {  	_ =	shalt  }
0x5b: {  	_ =	shalt  }
0x5c: {  	_ =	shalt  }
0x5d: {  	_ =	shalt  }
0x5e: {  	_ =	shalt  }
0x5f: {  	_ =	shalt  }
0x60: {  	_ =	shalt  }
0x61: {  	_ =	shalt  }
0x62: {  	_ =	shalt  }
0x63: {  	_ =	shalt  }
0x64: {  	_ =	shalt  }
0x65: {  	_ =	shalt  }
0x66: {  	_ =	shalt  }
0x67: {  	_ =	shalt  }
0x68: {  	_ =	shalt  }
0x69: {  	_ =	shalt  }
0x6a: {  	_ =	shalt  }
0x6b: {  	_ =	shalt  }
0x6c: {  	_ =	shalt  }
0x6d: {  	_ =	shalt  }
0x6e: {  	_ =	shalt  }
0x6f: {  	_ =	shalt  }
0x70: {  	_ =	shalt  }
0x71: {  	_ =	shalt  }
0x72: {  	_ =	shalt  }
0x73: {  	_ =	shalt  }
0x74: {  	_ =	shalt  }
0x75: {  	_ =	shalt  }
0x76: {  	_ =	shalt  }
0x77: {  	_ =	shalt  }
0x78: {  	_ =	shalt  }
0x79: {  	_ =	shalt  }
0x7a: {  	_ =	shalt  }
0x7b: {  	_ =	shalt  }
0x7c: {  	_ =	shalt  }
0x7d: {  	_ =	shalt  }
0x7e: {  	_ =	shalt  }
0x7f: {  	_ =	shalt  }
0x80: {  	_ =	shalt  }
0x81: {  	_ =	shalt  }
0x82: {  	_ =	shalt  }
0x83: {  	_ =	shalt  }
0x84: {  	_ =	shalt  }
0x85: {  	_ =	shalt  }
0x86: {  	_ =	shalt  }
0x87: {  	_ =	shalt  }
.Lfunc_end0:
.L_simem_size_0:
called_computation.1_lowered:
.L_overlay_start_0:
0x88: {  	s2 =	sld [smem:$0x3FD9]  }
0x89: {  	s3 =	sld [smem:$0x3FFE];
	_ =	sdelay $0x1  }
0x8a: {  	s1 =	srdreg.scid  }
0x8b: {  	s0 =	sand.u32 $0x1, s1  }
0x8c: {  	s17 =	sshll.u32 s0, $0xA;
	s2 =	sadd.s32 s3, s2  }
0x8d: {  	s2 =	sadd.s32 s2, s17  }
0x8e: {  	[smem:$0x3FC6] =	sst s2  }
0x8f: {  	_ = 	snop  }
0x90: {  	s2 =	sld [smem:$0x3FD0];
	(tm) =	ssettm $0x1  }
0x91: {  	s18 =	sld [smem:$0x3FFB];
	_ =	sdelay $0x3  }
0x92: {  	_ =	strace s18  }
0x93: {  	s3 =	sld [smem:$0x3FFC];
	_ =	sdelay $0x3  }
0x94: {  	_ =	strace s3  }
0x95: {  	s3 =	sld [smem:$0x3FFD];
	_ =	sdelay $0x3  }
0x96: {  	_ =	strace s3  }
0x97: {  	_ =	strace $0x8FFFFFFF  }
0x98: {  	s19 =	sld [smem:$0x3FDB];
	_ =	sdelay $0x1  }
0x99: {  	s4 =	simm.s32 $_scs_section_size  }
0x9a: {  	s5 =	simm.s32 $_size__tile_overlayer_lowered;
	s6 =	simm.s32 $_tile_overlayer_lowered  }
0x9b: {  	s22 =	simm.s32 $0x1BFF;
	s21 =	sshll.u32 s6, $0x1;
	s3 =	sadd.s32 s4, s19  }
0x9c: {  	s7 =	simm.s32 $0x0;
	s20 =	sshll.u32 s5, $0x1;
	s5 =	sadd.s32 s21, s3  }
0x9d: {  	[timem:s7], [sflag:s22] =	dma.local [hbm:s5], s20  }
0x9e: {  	_ =	swait.ge [sflag:s22], s20  }
0x9f: {  	s4 =	ssub.s32 $0x0, s20;
	[sflag:s22] =	ssyncset.done $0x0  }
0xa0: {  	[sflag:s22] =	ssyncadd.s32 s4;
	_ =	sdelay $0x1  }
0xa1: {  	s23 =	simm.s32 $0x1B8B  }
0xa2: {  	_ =	swait.ge [sflag:s23], $0x1  }
0xa3: {  	[sflag:s23] =	ssyncset.done $0x0  }
0xa4: {  	s25 =	simm.s32 $0x1B8E;
	s24 =	sld [smem:$0x3FFE];
	[sflag:s23] =	ssyncadd.s32 $0xFFFFFFFF  }
0xa5: {  	s26 =	simm.s32 $execute0_lowered;
	[smem:$0x3FD2] =	sst s25  }
0xa6: {  	s5 =	sshll.u32 s26, $0x1;
	_ =	strace $0x80000046;
	[dreg:$0x1] =	wrdreg $0xFFFFFFFF  }
0xa7: {  	s28 =	simm.s32 $_size_execute0_lowered;
	s3 =	sadd.s32 s3, s5;
	[dreg:$0x0] =	wrdreg $0x0  }
0xa8: {  	s5 =	sshll.u32 s28, $0x1;
	[dreg:$0x2] =	wrdreg s3  }
0xa9: {  	[dreg:$0x3] =	wrdreg s5  }
0xaa: {  	[dreg:$0x4] =	wrdreg $0xC0  }
0xab: {  	_ =	task [dreg:s7], $0x5FFFF  }
0xac: {  	[dreg:$0x1] =	wrdreg $0xFFFFFFFF  }
0xad: {  	[dreg:$0x0] =	wrdreg $0x60  }
0xae: {  	[dreg:$0x2] =	wrdreg s24  }
0xaf: {  	[dreg:$0x3] =	wrdreg s2  }
0xb0: {  	[dreg:$0x4] =	wrdreg $0x9  }
0xb1: {  	_ =	task.clear_ibuf [dreg:s7], $0x5FFFF;
	_ =	strace $0x90000046  }
0xb2: {  	s29 =	simm.s32 $0x9;
	_ =	strace $0x80000048  }
0xb3: {  	_ =	swait.ge [sflag:s29], $0x1  }
0xb4: {  	[sflag:s29] =	ssyncadd.s32 $0xFFFFFFFF  }
0xb5: {  	_ =	strace $0x90000048  }
0xb6: {  	_ =	sfence  }
0xb7: {  	s30 =	sld [smem:$0x0];
	_ =	sdelay $0x2  }
0xb8: {  	s31 =	sshll.u32 s1, $0xD;
	s1 =	sshrl.u32 s1, $0x2  }
0xb9: {  	s3 =	sand.u32 $0x4000, s31;
	s1 =	sadd.s32 s1, s30  }
0xba: {  	s0 =	sor.u32 s3, s0;
	s1 =	sshll.u32 s1, $0x11  }
0xbb: {  	s0 =	sor.u32 s1, s0  }
0xbc: {  	s0 =	sadd.s32 $0x8F2B, s0  }
0xbd: {  	[sflag:s0] =	ssyncadd.remote.s32 $0x1  }
0xbe: {  	_ =	sfence.sel $0xFFFF  }
0xbf: {  	[dreg:$0x0] =	wrdreg $0xFFFFFFFF;
	(pc) =	sbr.abs _section_cstart, $3  }
0xc0: {  	[dreg:$0x1] =	wrdreg $0xFFFFFFFF  }
0xc1: {  	_ =	task.clear_ibuf [dreg:s7], $0x2FFFF;
	_ =	strace $0x9FFFFFFF  }
0xc2: {  	(tm) =	ssettm $0x7FFFFFFF  }
0xc3: {  	_ =	shalt  }
tec
execute0_lowered:
.L_overlay_start_1:
0x0: {  	(tag) =	ssettag $0x1  }
0x1: {  	s0 =	srdreg.scid  }
0x2: {  	s2 =	stileid.u32;
	s1 =	rddreg [dreg:$0x0];
	s15 =	simm.s32 $0x9  }
0x3: {  	s16 =	simm.s32 $0x80;
	s17 =	simm.s32 $0x6400;
	s18 =	simm.s32 $0x8400  }
0x4: {  	s20 =	simm.s32 $0xA400;
	s0 =	sand.u32 $0x1, s0;
	s3 =	sshll.u32 s2, $0x1  }
0x5: {  	s21 =	simm.s32 $0x1;
	s28 =	simm.s32 $0x6;
	s5 =	sor.u32 s0, s3  }
0x6: {  	s29 =	simm.s32 $0x4;
	s30 =	simm.s32 $0x7;
	s6 =	smul.u32 $0xC80, s5  }
0x7: {  	s31 =	simm.s32 $0x8;
	s2 =	rddreg [dreg:$0x1];
	s4 =	smul.u32 $0xC8, s5  }
0x8: {  	s3 =	simm.s32 $0x0;
	s0 =	ssub.s32 $0x2, s0;
	s7 =	smul.u32 $0x32000, s5  }
0x9: {  	[smem:$0x7FF] =	sst s3;
	s8 =	sshrl.u32 s0, $0x1;
	s9 =	smul.u32 $0x190000, s5  }
0xa: {  	s5 =	sadd.s32 $0xF42E00, s1;
	_ =	strace $0x80000047;
	s0 =	ssub.s32 s0, s8  }
0xb: {  	s6 =	sadd.s32 s6, s1;
	s23 =	sadd.s32 s2, s7;
	s8 =	sor.u32 $0x1, s4  }
0xc: {  	s24 =	sshrl.u32 s9, $0x3;
	s9 =	sor.u32 $0x2, s4;
	s10 =	sor.u32 $0x3, s4  }
0xd: {  	s14 =	smax.u32 s0, $0x1;
	s22 =	sadd.s32 $0xA00, s6;
	[dreg:$0x4] =	wrdreg s23  }
0xe: {  	s1 =	sadd.s32 s2, s24;
	s23 =	simm.s32 $0xC400;
	s24 =	simm.s32 $0x2  }
0xf: {  	[dreg:$0x3] =	wrdreg s22;
	s25 =	sadd.s32 $0x31400, s1;
	s26 =	sadd.s32 $0x31800, s1  }
0x10: {  	s13 =	sadd.s32 $0x31C00, s1;
	s1 =	simm.s32 $0x0;
	[dreg:$0x5] =	wrdreg s25  }
0x11: {  	[dreg:$0x6] =	wrdreg s26;
	s25 =	simm.s32 $0x5;
	s26 =	simm.s32 $0x3  }
.LBB2_1:
0x12: {  	s0 =	rddreg [dreg:$0x3]  }
0x13: {  	[tilespmem:s3], [sflag:$0x9] =	stream.linear.gather [hbm4b:s0+s3], $0x6400, $0x38;
	[tilespmem:$0xE400] =	vst v63  }
0x14: {  	_ =	swait.ge [sflag:s15], $0x6400  }
0x15: {  	[sflag:s15] =	ssyncset.done $0x0  }
0x16: {  	[sflag:s15] =	ssyncadd.s32 $0xFFFF9C00  }
0x17: {  	[tilespmem:s17], [sflag:$0x1] =	stream.indirect.gather [hbm4b:s5+s16], $0x40, s3, s16, $0xb8;
	[tilespmem:$0xE400] =	vst v63  }
0x18: {  	_ = 	snop  }
0x19: {  	[tilespmem:s18], [sflag:$0x2] =	stream.indirect.gather [hbm4b:s5+s16], $0x40, s16, s16, $0xb8;
	[tilespmem:$0xE400] =	vst v63  }
0x1a: {  	s22 =	simm.s32 $0x100  }
0x1b: {  	[tilespmem:s20], [sflag:$0x3] =	stream.indirect.gather [hbm4b:s5+s16], $0x40, s22, s16, $0xb8;
	[tilespmem:$0xE400] =	vst v63  }
0x1c: {  	_ =	swait.ge [sflag:s21], $0x2000  }
0x1d: {  	[sflag:s21] =	ssyncset.done $0x0  }
0x1e: {  	s0 =	simm.s32 $0x6480;
	[sflag:s21] =	ssyncadd.s32 $0xFFFFE000  }
0x1f: {  	v0 =	vld [tilespmem:s0+$0x70]  }
0x20: {  	v1 =	vld [tilespmem:s0+$0xFFFFFF90]  }
0x21: {  	v2 =	vld [tilespmem:s0+$0xFFFFFFA0]  }
0x22: {  	v3 =	vld [tilespmem:s0+$0xFFFFFFB0]  }
0x23: {  	v4 =	vld [tilespmem:s0+$0xFFFFFFC0]  }
0x24: {  	v5 =	vld [tilespmem:s0+$0xFFFFFFD0];
	v0 =	vmul.f32 $8.000000000e+00, v0  }
0x25: {  	v6 =	vld [tilespmem:s0+$0xFFFFFFE0];
	v1 =	vmul.f32 $8.000000000e+00, v1  }
0x26: {  	v7 =	vld [tilespmem:s0+$0xFFFFFFF0];
	v2 =	vmul.f32 $8.000000000e+00, v2;
	[tilespmem:s0+$0x70] =	vst v0  }
0x27: {  	[tilespmem:s0+$0xFFFFFF90] =	vst v1;
	v0 =	vmul.f32 $8.000000000e+00, v3;
	v3 =	vld [tilespmem:s0+$0x0]  }
0x28: {  	[tilespmem:s0+$0xFFFFFFA0] =	vst v2;
	v1 =	vmul.f32 $8.000000000e+00, v4;
	v4 =	vld [tilespmem:s0+$0x10]  }
0x29: {  	v8 =	vld [tilespmem:s0+$0x20];
	v2 =	vmul.f32 $8.000000000e+00, v5;
	[tilespmem:s0+$0xFFFFFFB0] =	vst v0  }
0x2a: {  	v5 =	vmul.f32 $8.000000000e+00, v6;
	[tilespmem:s0+$0xFFFFFFC0] =	vst v1;
	v0 =	vld [tilespmem:s0+$0x30]  }
0x2b: {  	v6 =	vmul.f32 $8.000000000e+00, v7;
	[tilespmem:s0+$0xFFFFFFD0] =	vst v2;
	v1 =	vld [tilespmem:s0+$0x40]  }
0x2c: {  	[tilespmem:s0+$0xFFFFFFE0] =	vst v5;
	v2 =	vld [tilespmem:s0+$0x50];
	v7 =	vmul.f32 $8.000000000e+00, v3  }
0x2d: {  	[tilespmem:s0+$0xFFFFFFF0] =	vst v6;
	v3 =	vld [tilespmem:s0+$0x60];
	v5 =	vmul.f32 $8.000000000e+00, v4  }
0x2e: {  	s6 =	simm.s32 $0x0;
	s7 =	simm.s32 $0x6580;
	v6 =	vmul.f32 $8.000000000e+00, v8;
	v4 =	vld [tilespmem:s0+$0xFFFFFF80];
	[tilespmem:s0+$0x0] =	vst v7  }
.LBB2_2:
0x2f: {  	v7 =	vld [tilespmem:s7+$0x70];
	s6 =	sadd.s32 $0x4, s6;
	[tilespmem:s0+$0x10] =	vst v5;
	v0 =	vmul.f32 $8.000000000e+00, v0  }
0x30: {  	v5 =	vld [tilespmem:s7+$0xFFFFFF90];
	p0 =	slt.u32 s6, $0x7C;
	[tilespmem:s0+$0x20] =	vst v6;
	v1 =	vmul.f32 $8.000000000e+00, v1  }
0x31: {  	v6 =	vld [tilespmem:s7+$0xFFFFFFA0];
	[tilespmem:s0+$0x30] =	vst v0;
	v0 =	vmul.f32 $8.000000000e+00, v2  }
0x32: {  	v2 =	vld [tilespmem:s7+$0xFFFFFFB0];
	[tilespmem:s0+$0x40] =	vst v1;
	v1 =	vmul.f32 $8.000000000e+00, v3  }
0x33: {  	v3 =	vld [tilespmem:s7+$0xFFFFFFC0];
	v4 =	vmul.f32 $8.000000000e+00, v4;
	[tilespmem:s0+$0x50] =	vst v0  }
0x34: {  	v0 =	vld [tilespmem:s7+$0xFFFFFFD0];
	v7 =	vmul.f32 $8.000000000e+00, v7;
	[tilespmem:s0+$0x60] =	vst v1  }
0x35: {  	v1 =	vmul.f32 $8.000000000e+00, v5;
	v5 =	vld [tilespmem:s7+$0xFFFFFFE0];
	[tilespmem:s0+$0xFFFFFF80] =	vst v4;
	s0 =	smov.u32 s7  }
0x36: {  	v4 =	vmul.f32 $8.000000000e+00, v6;
	v6 =	vld [tilespmem:s7+$0xFFFFFFF0];
	[tilespmem:s7+$0x70] =	vst v7  }
0x37: {  	[tilespmem:s7+$0xFFFFFF90] =	vst v1;
	v1 =	vmul.f32 $8.000000000e+00, v2;
	v2 =	vld [tilespmem:s7+$0x0]  }
0x38: {  	[tilespmem:s7+$0xFFFFFFA0] =	vst v4;
	v3 =	vmul.f32 $8.000000000e+00, v3;
	v4 =	vld [tilespmem:s7+$0x10]  }
0x39: {  	[tilespmem:s7+$0xFFFFFFB0] =	vst v1;
	v1 =	vmul.f32 $8.000000000e+00, v0;
	v7 =	vld [tilespmem:s7+$0x20]  }
.Ltmp0:
0x3a: {  	[tilespmem:s7+$0xFFFFFFC0] =	vst v3;
	v3 =	vmul.f32 $8.000000000e+00, v5;
	v0 =	vld [tilespmem:s7+$0x30];
	(pc) =	sbr.rel @p0 .LBB2_2-.Ltmp0, $4  }
0x3b: {  	[tilespmem:s7+$0xFFFFFFD0] =	vst v1;
	v5 =	vmul.f32 $8.000000000e+00, v6;
	v1 =	vld [tilespmem:s7+$0x40]  }
0x3c: {  	[tilespmem:s7+$0xFFFFFFE0] =	vst v3;
	v6 =	vmul.f32 $8.000000000e+00, v2;
	v2 =	vld [tilespmem:s7+$0x50]  }
0x3d: {  	[tilespmem:s7+$0xFFFFFFF0] =	vst v5;
	v5 =	vmul.f32 $8.000000000e+00, v4;
	v3 =	vld [tilespmem:s7+$0x60]  }
0x3e: {  	s7 =	sadd.s32 $0x100, s7;
	v4 =	vld [tilespmem:s0+$0xFFFFFF80];
	[tilespmem:s0+$0x0] =	vst v6;
	v6 =	vmul.f32 $8.000000000e+00, v7  }
0x3f: {  	[tilespmem:s0+$0x10] =	vst v5;
	v0 =	vmul.f32 $8.000000000e+00, v0  }
0x40: {  	[tilespmem:s0+$0x20] =	vst v6;
	v1 =	vmul.f32 $8.000000000e+00, v1  }
0x41: {  	[tilespmem:s0+$0x30] =	vst v0;
	v61 =	vmul.f32 $8.000000000e+00, v2  }
0x42: {  	[tilespmem:s0+$0x40] =	vst v1;
	v62 =	vmul.f32 $8.000000000e+00, v3  }
0x43: {  	v63 =	vmul.f32 $8.000000000e+00, v4;
	[tilespmem:s0+$0x50] =	vst v61  }
0x44: {  	[tilespmem:s0+$0x60] =	vst v62  }
0x45: {  	[tilespmem:s0+$0xFFFFFF80] =	vst v63  }
0x46: {  	s0 =	simm.s32 $0x0;
	s6 =	rddreg [dreg:$0x4]  }
0x47: {  	[hbm4b:s6+s0] =	stream.linear.scatter [tilespmem:s17], [sflag:$0x5], $0x2000, $0x38;
	[tilespmem:$0xE400] =	vst v63  }
0x48: {  	s22 =	simm.s32 $0x180  }
0x49: {  	[tilespmem:s23], [sflag:$0x4] =	stream.indirect.gather [hbm4b:s5+s16], $0x40, s22, s16, $0xb8;
	[tilespmem:$0xE400] =	vst v63  }
.LBB2_4:
0x4a: {  	_ =	swait.ge [sflag:s24], $0x2000  }
0x4b: {  	[sflag:s24] =	ssyncset.done $0x0  }
0x4c: {  	s6 =	simm.s32 $0x8480;
	[sflag:s24] =	ssyncadd.s32 $0xFFFFE000  }
0x4d: {  	v0 =	vld [tilespmem:s6+$0x70]  }
0x4e: {  	v1 =	vld [tilespmem:s6+$0xFFFFFF90]  }
0x4f: {  	v2 =	vld [tilespmem:s6+$0xFFFFFFA0]  }
0x50: {  	v3 =	vld [tilespmem:s6+$0xFFFFFFB0]  }
0x51: {  	v4 =	vld [tilespmem:s6+$0xFFFFFFC0]  }
0x52: {  	v5 =	vld [tilespmem:s6+$0xFFFFFFD0];
	v0 =	vmul.f32 $8.000000000e+00, v0  }
0x53: {  	v6 =	vld [tilespmem:s6+$0xFFFFFFE0];
	v1 =	vmul.f32 $8.000000000e+00, v1  }
0x54: {  	v7 =	vld [tilespmem:s6+$0xFFFFFFF0];
	v2 =	vmul.f32 $8.000000000e+00, v2;
	[tilespmem:s6+$0x70] =	vst v0  }
0x55: {  	[tilespmem:s6+$0xFFFFFF90] =	vst v1;
	v0 =	vmul.f32 $8.000000000e+00, v3;
	v3 =	vld [tilespmem:s6+$0x0]  }
0x56: {  	v8 =	vld [tilespmem:s6+$0x10];
	[tilespmem:s6+$0xFFFFFFA0] =	vst v2;
	v1 =	vmul.f32 $8.000000000e+00, v4  }
0x57: {  	v9 =	vld [tilespmem:s6+$0x20];
	v2 =	vmul.f32 $8.000000000e+00, v5;
	[tilespmem:s6+$0xFFFFFFB0] =	vst v0  }
0x58: {  	v4 =	vmul.f32 $8.000000000e+00, v6;
	[tilespmem:s6+$0xFFFFFFC0] =	vst v1;
	v0 =	vld [tilespmem:s6+$0x30]  }
0x59: {  	[tilespmem:s6+$0xFFFFFFD0] =	vst v2;
	v2 =	vmul.f32 $8.000000000e+00, v7;
	v1 =	vld [tilespmem:s6+$0x40]  }
0x5a: {  	[tilespmem:s6+$0xFFFFFFE0] =	vst v4;
	v4 =	vld [tilespmem:s6+$0x50];
	v6 =	vmul.f32 $8.000000000e+00, v3  }
0x5b: {  	v5 =	vmul.f32 $8.000000000e+00, v8;
	[tilespmem:s6+$0xFFFFFFF0] =	vst v2;
	v2 =	vld [tilespmem:s6+$0x60]  }
0x5c: {  	s7 =	simm.s32 $0x0;
	s11 =	simm.s32 $0x8580;
	v3 =	vld [tilespmem:s6+$0xFFFFFF80];
	[tilespmem:s6+$0x0] =	vst v6;
	v6 =	vmul.f32 $8.000000000e+00, v9  }
.LBB2_5:
0x5d: {  	v7 =	vld [tilespmem:s11+$0x70];
	s7 =	sadd.s32 $0x4, s7;
	[tilespmem:s6+$0x10] =	vst v5;
	v0 =	vmul.f32 $8.000000000e+00, v0  }
0x5e: {  	v5 =	vld [tilespmem:s11+$0xFFFFFF90];
	p0 =	slt.u32 s7, $0x7C;
	[tilespmem:s6+$0x20] =	vst v6;
	v1 =	vmul.f32 $8.000000000e+00, v1  }
0x5f: {  	v6 =	vld [tilespmem:s11+$0xFFFFFFA0];
	[tilespmem:s6+$0x30] =	vst v0;
	v0 =	vmul.f32 $8.000000000e+00, v4  }
0x60: {  	v4 =	vld [tilespmem:s11+$0xFFFFFFB0];
	[tilespmem:s6+$0x40] =	vst v1;
	v1 =	vmul.f32 $8.000000000e+00, v2  }
0x61: {  	v2 =	vld [tilespmem:s11+$0xFFFFFFC0];
	v3 =	vmul.f32 $8.000000000e+00, v3;
	[tilespmem:s6+$0x50] =	vst v0  }
0x62: {  	v0 =	vld [tilespmem:s11+$0xFFFFFFD0];
	v7 =	vmul.f32 $8.000000000e+00, v7;
	[tilespmem:s6+$0x60] =	vst v1  }
0x63: {  	v1 =	vmul.f32 $8.000000000e+00, v5;
	v5 =	vld [tilespmem:s11+$0xFFFFFFE0];
	[tilespmem:s6+$0xFFFFFF80] =	vst v3;
	s6 =	smov.u32 s11  }
0x64: {  	v3 =	vmul.f32 $8.000000000e+00, v6;
	v6 =	vld [tilespmem:s11+$0xFFFFFFF0];
	[tilespmem:s11+$0x70] =	vst v7  }
0x65: {  	[tilespmem:s11+$0xFFFFFF90] =	vst v1;
	v1 =	vmul.f32 $8.000000000e+00, v4;
	v4 =	vld [tilespmem:s11+$0x0]  }
0x66: {  	[tilespmem:s11+$0xFFFFFFA0] =	vst v3;
	v2 =	vmul.f32 $8.000000000e+00, v2;
	v3 =	vld [tilespmem:s11+$0x10]  }
0x67: {  	[tilespmem:s11+$0xFFFFFFB0] =	vst v1;
	v1 =	vmul.f32 $8.000000000e+00, v0;
	v7 =	vld [tilespmem:s11+$0x20]  }
.Ltmp1:
0x68: {  	[tilespmem:s11+$0xFFFFFFC0] =	vst v2;
	v2 =	vmul.f32 $8.000000000e+00, v5;
	v0 =	vld [tilespmem:s11+$0x30];
	(pc) =	sbr.rel @p0 .LBB2_5-.Ltmp1, $4  }
0x69: {  	[tilespmem:s11+$0xFFFFFFD0] =	vst v1;
	v5 =	vmul.f32 $8.000000000e+00, v6;
	v1 =	vld [tilespmem:s11+$0x40]  }
0x6a: {  	[tilespmem:s11+$0xFFFFFFE0] =	vst v2;
	v6 =	vmul.f32 $8.000000000e+00, v4;
	v4 =	vld [tilespmem:s11+$0x50]  }
0x6b: {  	[tilespmem:s11+$0xFFFFFFF0] =	vst v5;
	v5 =	vmul.f32 $8.000000000e+00, v3;
	v2 =	vld [tilespmem:s11+$0x60]  }
0x6c: {  	s11 =	sadd.s32 $0x100, s11;
	v3 =	vld [tilespmem:s6+$0xFFFFFF80];
	[tilespmem:s6+$0x0] =	vst v6;
	v6 =	vmul.f32 $8.000000000e+00, v7  }
0x6d: {  	[tilespmem:s6+$0x10] =	vst v5;
	v0 =	vmul.f32 $8.000000000e+00, v0  }
0x6e: {  	[tilespmem:s6+$0x20] =	vst v6;
	v1 =	vmul.f32 $8.000000000e+00, v1  }
0x6f: {  	s22 =	sshll.u32 s0, $0x2;
	[tilespmem:s6+$0x30] =	vst v0;
	v0 =	vmul.f32 $8.000000000e+00, v4  }
0x70: {  	s7 =	sadd.s32 s22, s8;
	[tilespmem:s6+$0x40] =	vst v1;
	v1 =	vmul.f32 $8.000000000e+00, v2  }
0x71: {  	s7 =	sshll.u32 s7, $0xA;
	v2 =	vmul.f32 $8.000000000e+00, v3;
	[tilespmem:s6+$0x50] =	vst v0  }
0x72: {  	s7 =	sand.u32 $0x1FFFF400, s7;
	[tilespmem:s6+$0x60] =	vst v1  }
0x73: {  	s11 =	sadd.s32 s2, s7;
	[tilespmem:s6+$0xFFFFFF80] =	vst v2  }
0x74: {  	[hbm4b:s11+s3] =	stream.linear.scatter [tilespmem:s18], [sflag:$0x6], $0x2000, $0x38;
	[tilespmem:$0xE400] =	vst v63  }
0x75: {  	s19 =	sadd.s32 $0x4, s22;
	_ =	swait.ge [sflag:s25], $0x2000  }
0x76: {  	s12 =	sshll.u32 s19, $0x7;
	[sflag:s25] =	ssyncset.done $0x0  }
0x77: {  	s6 =	sand.u32 $0x3FFFFE00, s12;
	[sflag:s25] =	ssyncadd.s32 $0xFFFFE000  }
0x78: {  	[tilespmem:s17], [sflag:$0x1] =	stream.indirect.gather [hbm4b:s5+s16], $0x40, s6, s16, $0xb8;
	[tilespmem:$0xE400] =	vst v63  }
0x79: {  	_ =	swait.ge [sflag:s26], $0x2000  }
0x7a: {  	[sflag:s26] =	ssyncset.done $0x0  }
0x7b: {  	s6 =	simm.s32 $0xA480;
	[sflag:s26] =	ssyncadd.s32 $0xFFFFE000  }
0x7c: {  	v0 =	vld [tilespmem:s6+$0x70]  }
0x7d: {  	v1 =	vld [tilespmem:s6+$0xFFFFFF90]  }
0x7e: {  	v2 =	vld [tilespmem:s6+$0xFFFFFFA0]  }
0x7f: {  	v3 =	vld [tilespmem:s6+$0xFFFFFFB0]  }
0x80: {  	v4 =	vld [tilespmem:s6+$0xFFFFFFC0]  }
0x81: {  	v5 =	vld [tilespmem:s6+$0xFFFFFFD0];
	v0 =	vmul.f32 $8.000000000e+00, v0  }
0x82: {  	v6 =	vld [tilespmem:s6+$0xFFFFFFE0];
	v1 =	vmul.f32 $8.000000000e+00, v1  }
0x83: {  	v7 =	vld [tilespmem:s6+$0xFFFFFFF0];
	v2 =	vmul.f32 $8.000000000e+00, v2;
	[tilespmem:s6+$0x70] =	vst v0  }
0x84: {  	[tilespmem:s6+$0xFFFFFF90] =	vst v1;
	v0 =	vmul.f32 $8.000000000e+00, v3;
	v3 =	vld [tilespmem:s6+$0x0]  }
0x85: {  	[tilespmem:s6+$0xFFFFFFA0] =	vst v2;
	v1 =	vmul.f32 $8.000000000e+00, v4;
	v4 =	vld [tilespmem:s6+$0x10]  }
0x86: {  	v8 =	vld [tilespmem:s6+$0x20];
	v2 =	vmul.f32 $8.000000000e+00, v5;
	[tilespmem:s6+$0xFFFFFFB0] =	vst v0  }
0x87: {  	v5 =	vmul.f32 $8.000000000e+00, v6;
	[tilespmem:s6+$0xFFFFFFC0] =	vst v1;
	v0 =	vld [tilespmem:s6+$0x30]  }
0x88: {  	v6 =	vmul.f32 $8.000000000e+00, v7;
	[tilespmem:s6+$0xFFFFFFD0] =	vst v2;
	v1 =	vld [tilespmem:s6+$0x40]  }
0x89: {  	[tilespmem:s6+$0xFFFFFFE0] =	vst v5;
	v2 =	vld [tilespmem:s6+$0x50];
	v7 =	vmul.f32 $8.000000000e+00, v3  }
0x8a: {  	[tilespmem:s6+$0xFFFFFFF0] =	vst v6;
	v3 =	vld [tilespmem:s6+$0x60];
	v5 =	vmul.f32 $8.000000000e+00, v4  }
0x8b: {  	s7 =	simm.s32 $0x0;
	s11 =	simm.s32 $0xA580;
	v6 =	vmul.f32 $8.000000000e+00, v8;
	v4 =	vld [tilespmem:s6+$0xFFFFFF80];
	[tilespmem:s6+$0x0] =	vst v7  }
.LBB2_7:
0x8c: {  	v7 =	vld [tilespmem:s11+$0x70];
	s7 =	sadd.s32 $0x4, s7;
	[tilespmem:s6+$0x10] =	vst v5;
	v0 =	vmul.f32 $8.000000000e+00, v0  }
0x8d: {  	v5 =	vld [tilespmem:s11+$0xFFFFFF90];
	p0 =	slt.u32 s7, $0x7C;
	[tilespmem:s6+$0x20] =	vst v6;
	v1 =	vmul.f32 $8.000000000e+00, v1  }
0x8e: {  	v6 =	vld [tilespmem:s11+$0xFFFFFFA0];
	[tilespmem:s6+$0x30] =	vst v0;
	v0 =	vmul.f32 $8.000000000e+00, v2  }
0x8f: {  	v2 =	vld [tilespmem:s11+$0xFFFFFFB0];
	[tilespmem:s6+$0x40] =	vst v1;
	v1 =	vmul.f32 $8.000000000e+00, v3  }
0x90: {  	v3 =	vld [tilespmem:s11+$0xFFFFFFC0];
	v4 =	vmul.f32 $8.000000000e+00, v4;
	[tilespmem:s6+$0x50] =	vst v0  }
0x91: {  	v0 =	vld [tilespmem:s11+$0xFFFFFFD0];
	v7 =	vmul.f32 $8.000000000e+00, v7;
	[tilespmem:s6+$0x60] =	vst v1  }
0x92: {  	v1 =	vmul.f32 $8.000000000e+00, v5;
	v5 =	vld [tilespmem:s11+$0xFFFFFFE0];
	[tilespmem:s6+$0xFFFFFF80] =	vst v4;
	s6 =	smov.u32 s11  }
0x93: {  	v4 =	vmul.f32 $8.000000000e+00, v6;
	v6 =	vld [tilespmem:s11+$0xFFFFFFF0];
	[tilespmem:s11+$0x70] =	vst v7  }
0x94: {  	[tilespmem:s11+$0xFFFFFF90] =	vst v1;
	v1 =	vmul.f32 $8.000000000e+00, v2;
	v2 =	vld [tilespmem:s11+$0x0]  }
0x95: {  	[tilespmem:s11+$0xFFFFFFA0] =	vst v4;
	v3 =	vmul.f32 $8.000000000e+00, v3;
	v4 =	vld [tilespmem:s11+$0x10]  }
0x96: {  	[tilespmem:s11+$0xFFFFFFB0] =	vst v1;
	v1 =	vmul.f32 $8.000000000e+00, v0;
	v7 =	vld [tilespmem:s11+$0x20]  }
.Ltmp2:
0x97: {  	[tilespmem:s11+$0xFFFFFFC0] =	vst v3;
	v3 =	vmul.f32 $8.000000000e+00, v5;
	v0 =	vld [tilespmem:s11+$0x30];
	(pc) =	sbr.rel @p0 .LBB2_7-.Ltmp2, $4  }
0x98: {  	[tilespmem:s11+$0xFFFFFFD0] =	vst v1;
	v5 =	vmul.f32 $8.000000000e+00, v6;
	v1 =	vld [tilespmem:s11+$0x40]  }
0x99: {  	[tilespmem:s11+$0xFFFFFFE0] =	vst v3;
	v6 =	vmul.f32 $8.000000000e+00, v2;
	v2 =	vld [tilespmem:s11+$0x50]  }
0x9a: {  	[tilespmem:s11+$0xFFFFFFF0] =	vst v5;
	v5 =	vmul.f32 $8.000000000e+00, v4;
	v3 =	vld [tilespmem:s11+$0x60]  }
0x9b: {  	s11 =	sadd.s32 $0x100, s11;
	v4 =	vld [tilespmem:s6+$0xFFFFFF80];
	[tilespmem:s6+$0x0] =	vst v6;
	v6 =	vmul.f32 $8.000000000e+00, v7  }
0x9c: {  	[tilespmem:s6+$0x10] =	vst v5;
	v0 =	vmul.f32 $8.000000000e+00, v0  }
0x9d: {  	[tilespmem:s6+$0x20] =	vst v6;
	v1 =	vmul.f32 $8.000000000e+00, v1  }
0x9e: {  	[tilespmem:s6+$0x30] =	vst v0;
	v0 =	vmul.f32 $8.000000000e+00, v2  }
0x9f: {  	s7 =	sadd.s32 s22, s9;
	[tilespmem:s6+$0x40] =	vst v1;
	v1 =	vmul.f32 $8.000000000e+00, v3  }
0xa0: {  	s7 =	sshll.u32 s7, $0xA;
	v2 =	vmul.f32 $8.000000000e+00, v4;
	[tilespmem:s6+$0x50] =	vst v0  }
0xa1: {  	s7 =	sand.u32 $0x1FFFF800, s7;
	[tilespmem:s6+$0x60] =	vst v1  }
0xa2: {  	s7 =	sadd.s32 s2, s7;
	[tilespmem:s6+$0xFFFFFF80] =	vst v2  }
0xa3: {  	[hbm4b:s7+s3] =	stream.linear.scatter [tilespmem:s20], [sflag:$0x7], $0x2000, $0x38;
	[tilespmem:$0xE400] =	vst v63  }
0xa4: {  	s11 =	sshll.u32 s0, $0x9;
	_ =	swait.ge [sflag:s28], $0x2000  }
0xa5: {  	s6 =	sand.u32 $0x3FFFFE00, s11;
	[sflag:s28] =	ssyncset.done $0x0  }
0xa6: {  	s12 =	sadd.s32 $0x280, s6;
	[sflag:s28] =	ssyncadd.s32 $0xFFFFE000  }
0xa7: {  	[tilespmem:s18], [sflag:$0x2] =	stream.indirect.gather [hbm4b:s5+s16], $0x40, s12, s16, $0xb8;
	[tilespmem:$0xE400] =	vst v63  }
0xa8: {  	_ =	swait.ge [sflag:s29], $0x2000  }
0xa9: {  	[sflag:s29] =	ssyncset.done $0x0  }
0xaa: {  	s7 =	simm.s32 $0xC480;
	[sflag:s29] =	ssyncadd.s32 $0xFFFFE000  }
0xab: {  	v0 =	vld [tilespmem:s7+$0x70]  }
0xac: {  	v1 =	vld [tilespmem:s7+$0xFFFFFF90]  }
0xad: {  	v2 =	vld [tilespmem:s7+$0xFFFFFFA0]  }
0xae: {  	v3 =	vld [tilespmem:s7+$0xFFFFFFB0]  }
0xaf: {  	v4 =	vld [tilespmem:s7+$0xFFFFFFC0]  }
0xb0: {  	v5 =	vld [tilespmem:s7+$0xFFFFFFD0];
	v0 =	vmul.f32 $8.000000000e+00, v0  }
0xb1: {  	v6 =	vld [tilespmem:s7+$0xFFFFFFE0];
	v1 =	vmul.f32 $8.000000000e+00, v1  }
0xb2: {  	v7 =	vld [tilespmem:s7+$0xFFFFFFF0];
	v2 =	vmul.f32 $8.000000000e+00, v2;
	[tilespmem:s7+$0x70] =	vst v0  }
0xb3: {  	[tilespmem:s7+$0xFFFFFF90] =	vst v1;
	v0 =	vmul.f32 $8.000000000e+00, v3;
	v3 =	vld [tilespmem:s7+$0x0]  }
0xb4: {  	[tilespmem:s7+$0xFFFFFFA0] =	vst v2;
	v1 =	vmul.f32 $8.000000000e+00, v4;
	v4 =	vld [tilespmem:s7+$0x10]  }
0xb5: {  	v8 =	vld [tilespmem:s7+$0x20];
	v2 =	vmul.f32 $8.000000000e+00, v5;
	[tilespmem:s7+$0xFFFFFFB0] =	vst v0  }
0xb6: {  	v5 =	vmul.f32 $8.000000000e+00, v6;
	[tilespmem:s7+$0xFFFFFFC0] =	vst v1;
	v0 =	vld [tilespmem:s7+$0x30]  }
0xb7: {  	v6 =	vmul.f32 $8.000000000e+00, v7;
	[tilespmem:s7+$0xFFFFFFD0] =	vst v2;
	v1 =	vld [tilespmem:s7+$0x40]  }
0xb8: {  	[tilespmem:s7+$0xFFFFFFE0] =	vst v5;
	v2 =	vld [tilespmem:s7+$0x50];
	v7 =	vmul.f32 $8.000000000e+00, v3  }
0xb9: {  	[tilespmem:s7+$0xFFFFFFF0] =	vst v6;
	v3 =	vld [tilespmem:s7+$0x60];
	v5 =	vmul.f32 $8.000000000e+00, v4  }
0xba: {  	s11 =	simm.s32 $0x0;
	s12 =	simm.s32 $0xC580;
	v6 =	vmul.f32 $8.000000000e+00, v8;
	v4 =	vld [tilespmem:s7+$0xFFFFFF80];
	[tilespmem:s7+$0x0] =	vst v7  }
.LBB2_9:
0xbb: {  	v7 =	vld [tilespmem:s12+$0x70];
	s11 =	sadd.s32 $0x4, s11;
	[tilespmem:s7+$0x10] =	vst v5;
	v0 =	vmul.f32 $8.000000000e+00, v0  }
0xbc: {  	v5 =	vld [tilespmem:s12+$0xFFFFFF90];
	p0 =	slt.u32 s11, $0x7C;
	[tilespmem:s7+$0x20] =	vst v6;
	v1 =	vmul.f32 $8.000000000e+00, v1  }
0xbd: {  	v6 =	vld [tilespmem:s12+$0xFFFFFFA0];
	[tilespmem:s7+$0x30] =	vst v0;
	v0 =	vmul.f32 $8.000000000e+00, v2  }
0xbe: {  	v2 =	vld [tilespmem:s12+$0xFFFFFFB0];
	[tilespmem:s7+$0x40] =	vst v1;
	v1 =	vmul.f32 $8.000000000e+00, v3  }
0xbf: {  	v3 =	vld [tilespmem:s12+$0xFFFFFFC0];
	v4 =	vmul.f32 $8.000000000e+00, v4;
	[tilespmem:s7+$0x50] =	vst v0  }
0xc0: {  	v0 =	vld [tilespmem:s12+$0xFFFFFFD0];
	v7 =	vmul.f32 $8.000000000e+00, v7;
	[tilespmem:s7+$0x60] =	vst v1  }
0xc1: {  	v1 =	vmul.f32 $8.000000000e+00, v5;
	v5 =	vld [tilespmem:s12+$0xFFFFFFE0];
	[tilespmem:s7+$0xFFFFFF80] =	vst v4;
	s7 =	smov.u32 s12  }
0xc2: {  	v4 =	vmul.f32 $8.000000000e+00, v6;
	v6 =	vld [tilespmem:s12+$0xFFFFFFF0];
	[tilespmem:s12+$0x70] =	vst v7  }
0xc3: {  	[tilespmem:s12+$0xFFFFFF90] =	vst v1;
	v1 =	vmul.f32 $8.000000000e+00, v2;
	v2 =	vld [tilespmem:s12+$0x0]  }
0xc4: {  	[tilespmem:s12+$0xFFFFFFA0] =	vst v4;
	v3 =	vmul.f32 $8.000000000e+00, v3;
	v4 =	vld [tilespmem:s12+$0x10]  }
0xc5: {  	[tilespmem:s12+$0xFFFFFFB0] =	vst v1;
	v1 =	vmul.f32 $8.000000000e+00, v0;
	v7 =	vld [tilespmem:s12+$0x20]  }
.Ltmp3:
0xc6: {  	[tilespmem:s12+$0xFFFFFFC0] =	vst v3;
	v3 =	vmul.f32 $8.000000000e+00, v5;
	v0 =	vld [tilespmem:s12+$0x30];
	(pc) =	sbr.rel @p0 .LBB2_9-.Ltmp3, $4  }
0xc7: {  	[tilespmem:s12+$0xFFFFFFD0] =	vst v1;
	v5 =	vmul.f32 $8.000000000e+00, v6;
	v1 =	vld [tilespmem:s12+$0x40]  }
0xc8: {  	[tilespmem:s12+$0xFFFFFFE0] =	vst v3;
	v6 =	vmul.f32 $8.000000000e+00, v2;
	v2 =	vld [tilespmem:s12+$0x50]  }
0xc9: {  	[tilespmem:s12+$0xFFFFFFF0] =	vst v5;
	v5 =	vmul.f32 $8.000000000e+00, v4;
	v3 =	vld [tilespmem:s12+$0x60]  }
0xca: {  	s12 =	sadd.s32 $0x100, s12;
	v4 =	vld [tilespmem:s7+$0xFFFFFF80];
	[tilespmem:s7+$0x0] =	vst v6;
	v6 =	vmul.f32 $8.000000000e+00, v7  }
0xcb: {  	[tilespmem:s7+$0x10] =	vst v5;
	v0 =	vmul.f32 $8.000000000e+00, v0  }
0xcc: {  	[tilespmem:s7+$0x20] =	vst v6;
	v1 =	vmul.f32 $8.000000000e+00, v1  }
0xcd: {  	[tilespmem:s7+$0x30] =	vst v0;
	v0 =	vmul.f32 $8.000000000e+00, v2  }
0xce: {  	s11 =	sadd.s32 s22, s10;
	[tilespmem:s7+$0x40] =	vst v1;
	v1 =	vmul.f32 $8.000000000e+00, v3  }
0xcf: {  	s11 =	sshll.u32 s11, $0xA;
	v2 =	vmul.f32 $8.000000000e+00, v4;
	[tilespmem:s7+$0x50] =	vst v0  }
0xd0: {  	s11 =	sand.u32 $0x1FFFFC00, s11;
	[tilespmem:s7+$0x60] =	vst v1  }
0xd1: {  	s12 =	sadd.s32 s2, s11;
	[tilespmem:s7+$0xFFFFFF80] =	vst v2  }
0xd2: {  	[hbm4b:s12+s3] =	stream.linear.scatter [tilespmem:s23], [sflag:$0x8], $0x2000, $0x38;
	[tilespmem:$0xE400] =	vst v63  }
0xd3: {  	_ =	swait.ge [sflag:s30], $0x2000  }
0xd4: {  	[sflag:s30] =	ssyncset.done $0x0  }
0xd5: {  	s22 =	sadd.s32 $0x300, s6;
	[sflag:s30] =	ssyncadd.s32 $0xFFFFE000  }
0xd6: {  	[tilespmem:s20], [sflag:$0x3] =	stream.indirect.gather [hbm4b:s5+s16], $0x40, s22, s16, $0xb8;
	[tilespmem:$0xE400] =	vst v63  }
0xd7: {  	_ =	swait.ge [sflag:s21], $0x2000  }
0xd8: {  	[sflag:s21] =	ssyncset.done $0x0  }
0xd9: {  	s7 =	simm.s32 $0x6480;
	[sflag:s21] =	ssyncadd.s32 $0xFFFFE000  }
0xda: {  	v0 =	vld [tilespmem:s7+$0x70]  }
0xdb: {  	v1 =	vld [tilespmem:s7+$0xFFFFFF90]  }
0xdc: {  	v2 =	vld [tilespmem:s7+$0xFFFFFFA0]  }
0xdd: {  	v3 =	vld [tilespmem:s7+$0xFFFFFFB0]  }
0xde: {  	v4 =	vld [tilespmem:s7+$0xFFFFFFC0]  }
0xdf: {  	v5 =	vld [tilespmem:s7+$0xFFFFFFD0];
	v0 =	vmul.f32 $8.000000000e+00, v0  }
0xe0: {  	v6 =	vld [tilespmem:s7+$0xFFFFFFE0];
	v1 =	vmul.f32 $8.000000000e+00, v1  }
0xe1: {  	v7 =	vld [tilespmem:s7+$0xFFFFFFF0];
	v2 =	vmul.f32 $8.000000000e+00, v2;
	[tilespmem:s7+$0x70] =	vst v0  }
0xe2: {  	[tilespmem:s7+$0xFFFFFF90] =	vst v1;
	v0 =	vmul.f32 $8.000000000e+00, v3;
	v3 =	vld [tilespmem:s7+$0x0]  }
0xe3: {  	[tilespmem:s7+$0xFFFFFFA0] =	vst v2;
	v1 =	vmul.f32 $8.000000000e+00, v4;
	v4 =	vld [tilespmem:s7+$0x10]  }
0xe4: {  	v8 =	vld [tilespmem:s7+$0x20];
	v2 =	vmul.f32 $8.000000000e+00, v5;
	[tilespmem:s7+$0xFFFFFFB0] =	vst v0  }
0xe5: {  	v5 =	vmul.f32 $8.000000000e+00, v6;
	[tilespmem:s7+$0xFFFFFFC0] =	vst v1;
	v0 =	vld [tilespmem:s7+$0x30]  }
0xe6: {  	v6 =	vmul.f32 $8.000000000e+00, v7;
	[tilespmem:s7+$0xFFFFFFD0] =	vst v2;
	v1 =	vld [tilespmem:s7+$0x40]  }
0xe7: {  	[tilespmem:s7+$0xFFFFFFE0] =	vst v5;
	v2 =	vld [tilespmem:s7+$0x50];
	v7 =	vmul.f32 $8.000000000e+00, v3  }
0xe8: {  	[tilespmem:s7+$0xFFFFFFF0] =	vst v6;
	v3 =	vld [tilespmem:s7+$0x60];
	v5 =	vmul.f32 $8.000000000e+00, v4  }
0xe9: {  	s11 =	simm.s32 $0x0;
	s12 =	simm.s32 $0x6580;
	v6 =	vmul.f32 $8.000000000e+00, v8;
	v4 =	vld [tilespmem:s7+$0xFFFFFF80];
	[tilespmem:s7+$0x0] =	vst v7  }
.LBB2_11:
0xea: {  	v7 =	vld [tilespmem:s12+$0x70];
	s11 =	sadd.s32 $0x4, s11;
	[tilespmem:s7+$0x10] =	vst v5;
	v0 =	vmul.f32 $8.000000000e+00, v0  }
0xeb: {  	v5 =	vld [tilespmem:s12+$0xFFFFFF90];
	p0 =	slt.u32 s11, $0x7C;
	[tilespmem:s7+$0x20] =	vst v6;
	v1 =	vmul.f32 $8.000000000e+00, v1  }
0xec: {  	v6 =	vld [tilespmem:s12+$0xFFFFFFA0];
	[tilespmem:s7+$0x30] =	vst v0;
	v0 =	vmul.f32 $8.000000000e+00, v2  }
0xed: {  	v2 =	vld [tilespmem:s12+$0xFFFFFFB0];
	[tilespmem:s7+$0x40] =	vst v1;
	v1 =	vmul.f32 $8.000000000e+00, v3  }
0xee: {  	v3 =	vld [tilespmem:s12+$0xFFFFFFC0];
	v4 =	vmul.f32 $8.000000000e+00, v4;
	[tilespmem:s7+$0x50] =	vst v0  }
0xef: {  	v0 =	vld [tilespmem:s12+$0xFFFFFFD0];
	v7 =	vmul.f32 $8.000000000e+00, v7;
	[tilespmem:s7+$0x60] =	vst v1  }
0xf0: {  	v1 =	vmul.f32 $8.000000000e+00, v5;
	v5 =	vld [tilespmem:s12+$0xFFFFFFE0];
	[tilespmem:s7+$0xFFFFFF80] =	vst v4;
	s7 =	smov.u32 s12  }
0xf1: {  	v4 =	vmul.f32 $8.000000000e+00, v6;
	v6 =	vld [tilespmem:s12+$0xFFFFFFF0];
	[tilespmem:s12+$0x70] =	vst v7  }
0xf2: {  	[tilespmem:s12+$0xFFFFFF90] =	vst v1;
	v1 =	vmul.f32 $8.000000000e+00, v2;
	v2 =	vld [tilespmem:s12+$0x0]  }
0xf3: {  	[tilespmem:s12+$0xFFFFFFA0] =	vst v4;
	v3 =	vmul.f32 $8.000000000e+00, v3;
	v4 =	vld [tilespmem:s12+$0x10]  }
0xf4: {  	[tilespmem:s12+$0xFFFFFFB0] =	vst v1;
	v1 =	vmul.f32 $8.000000000e+00, v0;
	v7 =	vld [tilespmem:s12+$0x20]  }
.Ltmp4:
0xf5: {  	[tilespmem:s12+$0xFFFFFFC0] =	vst v3;
	v3 =	vmul.f32 $8.000000000e+00, v5;
	v0 =	vld [tilespmem:s12+$0x30];
	(pc) =	sbr.rel @p0 .LBB2_11-.Ltmp4, $4  }
0xf6: {  	[tilespmem:s12+$0xFFFFFFD0] =	vst v1;
	v5 =	vmul.f32 $8.000000000e+00, v6;
	v1 =	vld [tilespmem:s12+$0x40]  }
0xf7: {  	[tilespmem:s12+$0xFFFFFFE0] =	vst v3;
	v6 =	vmul.f32 $8.000000000e+00, v2;
	v2 =	vld [tilespmem:s12+$0x50]  }
0xf8: {  	[tilespmem:s12+$0xFFFFFFF0] =	vst v5;
	v5 =	vmul.f32 $8.000000000e+00, v4;
	v3 =	vld [tilespmem:s12+$0x60]  }
0xf9: {  	s12 =	sadd.s32 $0x100, s12;
	v4 =	vld [tilespmem:s7+$0xFFFFFF80];
	[tilespmem:s7+$0x0] =	vst v6;
	v6 =	vmul.f32 $8.000000000e+00, v7  }
0xfa: {  	[tilespmem:s7+$0x10] =	vst v5;
	v0 =	vmul.f32 $8.000000000e+00, v0  }
0xfb: {  	[tilespmem:s7+$0x20] =	vst v6;
	v1 =	vmul.f32 $8.000000000e+00, v1  }
0xfc: {  	[tilespmem:s7+$0x30] =	vst v0;
	v61 =	vmul.f32 $8.000000000e+00, v2  }
0xfd: {  	s11 =	sadd.s32 s4, s19;
	[tilespmem:s7+$0x40] =	vst v1;
	v62 =	vmul.f32 $8.000000000e+00, v3  }
0xfe: {  	s11 =	sshll.u32 s11, $0xA;
	v63 =	vmul.f32 $8.000000000e+00, v4;
	[tilespmem:s7+$0x50] =	vst v61  }
0xff: {  	s0 =	sadd.s32 $0x1, s0;
	s11 =	sand.u32 $0x1FFFF000, s11;
	[tilespmem:s7+$0x60] =	vst v62  }
0x100: {  	p0 =	sne.s32 s0, $0x31;
	s22 =	sadd.s32 s2, s11;
	[tilespmem:s7+$0xFFFFFF80] =	vst v63  }
0x101: {  	[hbm4b:s22+s3] =	stream.linear.scatter [tilespmem:s17], [sflag:$0x5], $0x2000, $0x38;
	[tilespmem:$0xE400] =	vst v63  }
.Ltmp5:
0x102: {  	_ = 	snop;
	(pc) =	sbr.rel @p0 .LBB2_4-.Ltmp5, $4  }
0x103: {  	_ =	swait.ge [sflag:s31], $0x2000  }
0x104: {  	[sflag:s31] =	ssyncset.done $0x0  }
0x105: {  	s6 =	sadd.s32 $0x380, s6;
	[sflag:s31] =	ssyncadd.s32 $0xFFFFE000  }
0x106: {  	[tilespmem:s23], [sflag:$0x4] =	stream.indirect.gather [hbm4b:s5+s16], $0x40, s6, s16, $0xb8;
	[tilespmem:$0xE400] =	vst v63  }
0x107: {  	_ =	swait.ge [sflag:s24], $0x2000  }
0x108: {  	[sflag:s24] =	ssyncset.done $0x0  }
0x109: {  	s0 =	simm.s32 $0x8480;
	[sflag:s24] =	ssyncadd.s32 $0xFFFFE000  }
0x10a: {  	v0 =	vld [tilespmem:s0+$0x70]  }
0x10b: {  	v1 =	vld [tilespmem:s0+$0xFFFFFF90]  }
0x10c: {  	v2 =	vld [tilespmem:s0+$0xFFFFFFA0]  }
0x10d: {  	v3 =	vld [tilespmem:s0+$0xFFFFFFB0]  }
0x10e: {  	v4 =	vld [tilespmem:s0+$0xFFFFFFC0]  }
0x10f: {  	v5 =	vld [tilespmem:s0+$0xFFFFFFD0];
	v0 =	vmul.f32 $8.000000000e+00, v0  }
0x110: {  	v6 =	vld [tilespmem:s0+$0xFFFFFFE0];
	v1 =	vmul.f32 $8.000000000e+00, v1  }
0x111: {  	v7 =	vld [tilespmem:s0+$0xFFFFFFF0];
	v2 =	vmul.f32 $8.000000000e+00, v2;
	[tilespmem:s0+$0x70] =	vst v0  }
0x112: {  	[tilespmem:s0+$0xFFFFFF90] =	vst v1;
	v0 =	vmul.f32 $8.000000000e+00, v3;
	v3 =	vld [tilespmem:s0+$0x0]  }
0x113: {  	[tilespmem:s0+$0xFFFFFFA0] =	vst v2;
	v1 =	vmul.f32 $8.000000000e+00, v4;
	v4 =	vld [tilespmem:s0+$0x10]  }
0x114: {  	v8 =	vld [tilespmem:s0+$0x20];
	v2 =	vmul.f32 $8.000000000e+00, v5;
	[tilespmem:s0+$0xFFFFFFB0] =	vst v0  }
0x115: {  	v5 =	vmul.f32 $8.000000000e+00, v6;
	[tilespmem:s0+$0xFFFFFFC0] =	vst v1;
	v0 =	vld [tilespmem:s0+$0x30]  }
0x116: {  	v6 =	vmul.f32 $8.000000000e+00, v7;
	[tilespmem:s0+$0xFFFFFFD0] =	vst v2;
	v1 =	vld [tilespmem:s0+$0x40]  }
0x117: {  	[tilespmem:s0+$0xFFFFFFE0] =	vst v5;
	v2 =	vld [tilespmem:s0+$0x50];
	v7 =	vmul.f32 $8.000000000e+00, v3  }
0x118: {  	[tilespmem:s0+$0xFFFFFFF0] =	vst v6;
	v3 =	vld [tilespmem:s0+$0x60];
	v5 =	vmul.f32 $8.000000000e+00, v4  }
0x119: {  	s6 =	simm.s32 $0x0;
	s7 =	simm.s32 $0x8580;
	v6 =	vmul.f32 $8.000000000e+00, v8;
	v4 =	vld [tilespmem:s0+$0xFFFFFF80];
	[tilespmem:s0+$0x0] =	vst v7  }
.LBB2_14:
0x11a: {  	v7 =	vld [tilespmem:s7+$0x70];
	s6 =	sadd.s32 $0x4, s6;
	[tilespmem:s0+$0x10] =	vst v5;
	v0 =	vmul.f32 $8.000000000e+00, v0  }
0x11b: {  	v5 =	vld [tilespmem:s7+$0xFFFFFF90];
	p0 =	slt.u32 s6, $0x7C;
	[tilespmem:s0+$0x20] =	vst v6;
	v1 =	vmul.f32 $8.000000000e+00, v1  }
0x11c: {  	v6 =	vld [tilespmem:s7+$0xFFFFFFA0];
	[tilespmem:s0+$0x30] =	vst v0;
	v0 =	vmul.f32 $8.000000000e+00, v2  }
0x11d: {  	v2 =	vld [tilespmem:s7+$0xFFFFFFB0];
	[tilespmem:s0+$0x40] =	vst v1;
	v1 =	vmul.f32 $8.000000000e+00, v3  }
0x11e: {  	v3 =	vld [tilespmem:s7+$0xFFFFFFC0];
	v4 =	vmul.f32 $8.000000000e+00, v4;
	[tilespmem:s0+$0x50] =	vst v0  }
0x11f: {  	v0 =	vld [tilespmem:s7+$0xFFFFFFD0];
	v7 =	vmul.f32 $8.000000000e+00, v7;
	[tilespmem:s0+$0x60] =	vst v1  }
0x120: {  	v1 =	vmul.f32 $8.000000000e+00, v5;
	v5 =	vld [tilespmem:s7+$0xFFFFFFE0];
	[tilespmem:s0+$0xFFFFFF80] =	vst v4;
	s0 =	smov.u32 s7  }
0x121: {  	v4 =	vmul.f32 $8.000000000e+00, v6;
	v6 =	vld [tilespmem:s7+$0xFFFFFFF0];
	[tilespmem:s7+$0x70] =	vst v7  }
0x122: {  	[tilespmem:s7+$0xFFFFFF90] =	vst v1;
	v1 =	vmul.f32 $8.000000000e+00, v2;
	v2 =	vld [tilespmem:s7+$0x0]  }
0x123: {  	[tilespmem:s7+$0xFFFFFFA0] =	vst v4;
	v3 =	vmul.f32 $8.000000000e+00, v3;
	v4 =	vld [tilespmem:s7+$0x10]  }
0x124: {  	[tilespmem:s7+$0xFFFFFFB0] =	vst v1;
	v1 =	vmul.f32 $8.000000000e+00, v0;
	v7 =	vld [tilespmem:s7+$0x20]  }
.Ltmp6:
0x125: {  	[tilespmem:s7+$0xFFFFFFC0] =	vst v3;
	v3 =	vmul.f32 $8.000000000e+00, v5;
	v0 =	vld [tilespmem:s7+$0x30];
	(pc) =	sbr.rel @p0 .LBB2_14-.Ltmp6, $4  }
0x126: {  	[tilespmem:s7+$0xFFFFFFD0] =	vst v1;
	v5 =	vmul.f32 $8.000000000e+00, v6;
	v1 =	vld [tilespmem:s7+$0x40]  }
0x127: {  	[tilespmem:s7+$0xFFFFFFE0] =	vst v3;
	v6 =	vmul.f32 $8.000000000e+00, v2;
	v2 =	vld [tilespmem:s7+$0x50]  }
0x128: {  	[tilespmem:s7+$0xFFFFFFF0] =	vst v5;
	v5 =	vmul.f32 $8.000000000e+00, v4;
	v3 =	vld [tilespmem:s7+$0x60]  }
0x129: {  	s7 =	sadd.s32 $0x100, s7;
	v4 =	vld [tilespmem:s0+$0xFFFFFF80];
	[tilespmem:s0+$0x0] =	vst v6;
	v6 =	vmul.f32 $8.000000000e+00, v7  }
0x12a: {  	[tilespmem:s0+$0x10] =	vst v5;
	v0 =	vmul.f32 $8.000000000e+00, v0  }
0x12b: {  	[tilespmem:s0+$0x20] =	vst v6;
	v1 =	vmul.f32 $8.000000000e+00, v1  }
0x12c: {  	[tilespmem:s0+$0x30] =	vst v0;
	v0 =	vmul.f32 $8.000000000e+00, v2  }
0x12d: {  	[tilespmem:s0+$0x40] =	vst v1;
	v1 =	vmul.f32 $8.000000000e+00, v3  }
0x12e: {  	v2 =	vmul.f32 $8.000000000e+00, v4;
	[tilespmem:s0+$0x50] =	vst v0  }
0x12f: {  	[tilespmem:s0+$0x60] =	vst v1  }
0x130: {  	[tilespmem:s0+$0xFFFFFF80] =	vst v2  }
0x131: {  	s0 =	rddreg [dreg:$0x5]  }
0x132: {  	[hbm4b:s0+s3] =	stream.linear.scatter [tilespmem:s18], [sflag:$0x6], $0x2000, $0x38;
	[tilespmem:$0xE400] =	vst v63  }
0x133: {  	_ =	swait.ge [sflag:s26], $0x2000  }
0x134: {  	[sflag:s26] =	ssyncset.done $0x0  }
0x135: {  	s0 =	simm.s32 $0xA480;
	[sflag:s26] =	ssyncadd.s32 $0xFFFFE000  }
0x136: {  	v0 =	vld [tilespmem:s0+$0x70]  }
0x137: {  	v1 =	vld [tilespmem:s0+$0xFFFFFF90]  }
0x138: {  	v2 =	vld [tilespmem:s0+$0xFFFFFFA0]  }
0x139: {  	v3 =	vld [tilespmem:s0+$0xFFFFFFB0]  }
0x13a: {  	v4 =	vld [tilespmem:s0+$0xFFFFFFC0]  }
0x13b: {  	v5 =	vld [tilespmem:s0+$0xFFFFFFD0];
	v0 =	vmul.f32 $8.000000000e+00, v0  }
0x13c: {  	v6 =	vld [tilespmem:s0+$0xFFFFFFE0];
	v1 =	vmul.f32 $8.000000000e+00, v1  }
0x13d: {  	v7 =	vld [tilespmem:s0+$0xFFFFFFF0];
	v2 =	vmul.f32 $8.000000000e+00, v2;
	[tilespmem:s0+$0x70] =	vst v0  }
0x13e: {  	[tilespmem:s0+$0xFFFFFF90] =	vst v1;
	v0 =	vmul.f32 $8.000000000e+00, v3;
	v3 =	vld [tilespmem:s0+$0x0]  }
0x13f: {  	[tilespmem:s0+$0xFFFFFFA0] =	vst v2;
	v1 =	vmul.f32 $8.000000000e+00, v4;
	v4 =	vld [tilespmem:s0+$0x10]  }
0x140: {  	v8 =	vld [tilespmem:s0+$0x20];
	v2 =	vmul.f32 $8.000000000e+00, v5;
	[tilespmem:s0+$0xFFFFFFB0] =	vst v0  }
0x141: {  	v5 =	vmul.f32 $8.000000000e+00, v6;
	[tilespmem:s0+$0xFFFFFFC0] =	vst v1;
	v0 =	vld [tilespmem:s0+$0x30]  }
0x142: {  	v6 =	vmul.f32 $8.000000000e+00, v7;
	[tilespmem:s0+$0xFFFFFFD0] =	vst v2;
	v1 =	vld [tilespmem:s0+$0x40]  }
0x143: {  	[tilespmem:s0+$0xFFFFFFE0] =	vst v5;
	v2 =	vld [tilespmem:s0+$0x50];
	v7 =	vmul.f32 $8.000000000e+00, v3  }
0x144: {  	[tilespmem:s0+$0xFFFFFFF0] =	vst v6;
	v3 =	vld [tilespmem:s0+$0x60];
	v5 =	vmul.f32 $8.000000000e+00, v4  }
0x145: {  	s6 =	simm.s32 $0x0;
	s7 =	simm.s32 $0xA580;
	v6 =	vmul.f32 $8.000000000e+00, v8;
	v4 =	vld [tilespmem:s0+$0xFFFFFF80];
	[tilespmem:s0+$0x0] =	vst v7  }
.LBB2_16:
0x146: {  	v7 =	vld [tilespmem:s7+$0x70];
	s6 =	sadd.s32 $0x4, s6;
	[tilespmem:s0+$0x10] =	vst v5;
	v0 =	vmul.f32 $8.000000000e+00, v0  }
0x147: {  	v5 =	vld [tilespmem:s7+$0xFFFFFF90];
	p0 =	slt.u32 s6, $0x7C;
	[tilespmem:s0+$0x20] =	vst v6;
	v1 =	vmul.f32 $8.000000000e+00, v1  }
0x148: {  	v6 =	vld [tilespmem:s7+$0xFFFFFFA0];
	[tilespmem:s0+$0x30] =	vst v0;
	v0 =	vmul.f32 $8.000000000e+00, v2  }
0x149: {  	v2 =	vld [tilespmem:s7+$0xFFFFFFB0];
	[tilespmem:s0+$0x40] =	vst v1;
	v1 =	vmul.f32 $8.000000000e+00, v3  }
0x14a: {  	v3 =	vld [tilespmem:s7+$0xFFFFFFC0];
	v4 =	vmul.f32 $8.000000000e+00, v4;
	[tilespmem:s0+$0x50] =	vst v0  }
0x14b: {  	v0 =	vld [tilespmem:s7+$0xFFFFFFD0];
	v7 =	vmul.f32 $8.000000000e+00, v7;
	[tilespmem:s0+$0x60] =	vst v1  }
0x14c: {  	v1 =	vmul.f32 $8.000000000e+00, v5;
	v5 =	vld [tilespmem:s7+$0xFFFFFFE0];
	[tilespmem:s0+$0xFFFFFF80] =	vst v4;
	s0 =	smov.u32 s7  }
0x14d: {  	v4 =	vmul.f32 $8.000000000e+00, v6;
	v6 =	vld [tilespmem:s7+$0xFFFFFFF0];
	[tilespmem:s7+$0x70] =	vst v7  }
0x14e: {  	[tilespmem:s7+$0xFFFFFF90] =	vst v1;
	v1 =	vmul.f32 $8.000000000e+00, v2;
	v2 =	vld [tilespmem:s7+$0x0]  }
0x14f: {  	[tilespmem:s7+$0xFFFFFFA0] =	vst v4;
	v3 =	vmul.f32 $8.000000000e+00, v3;
	v4 =	vld [tilespmem:s7+$0x10]  }
0x150: {  	[tilespmem:s7+$0xFFFFFFB0] =	vst v1;
	v1 =	vmul.f32 $8.000000000e+00, v0;
	v7 =	vld [tilespmem:s7+$0x20]  }
.Ltmp7:
0x151: {  	[tilespmem:s7+$0xFFFFFFC0] =	vst v3;
	v3 =	vmul.f32 $8.000000000e+00, v5;
	v0 =	vld [tilespmem:s7+$0x30];
	(pc) =	sbr.rel @p0 .LBB2_16-.Ltmp7, $4  }
0x152: {  	[tilespmem:s7+$0xFFFFFFD0] =	vst v1;
	v5 =	vmul.f32 $8.000000000e+00, v6;
	v1 =	vld [tilespmem:s7+$0x40]  }
0x153: {  	[tilespmem:s7+$0xFFFFFFE0] =	vst v3;
	v6 =	vmul.f32 $8.000000000e+00, v2;
	v2 =	vld [tilespmem:s7+$0x50]  }
0x154: {  	[tilespmem:s7+$0xFFFFFFF0] =	vst v5;
	v5 =	vmul.f32 $8.000000000e+00, v4;
	v3 =	vld [tilespmem:s7+$0x60]  }
0x155: {  	s7 =	sadd.s32 $0x100, s7;
	v4 =	vld [tilespmem:s0+$0xFFFFFF80];
	[tilespmem:s0+$0x0] =	vst v6;
	v6 =	vmul.f32 $8.000000000e+00, v7  }
0x156: {  	[tilespmem:s0+$0x10] =	vst v5;
	v0 =	vmul.f32 $8.000000000e+00, v0  }
0x157: {  	[tilespmem:s0+$0x20] =	vst v6;
	v1 =	vmul.f32 $8.000000000e+00, v1  }
0x158: {  	[tilespmem:s0+$0x30] =	vst v0;
	v0 =	vmul.f32 $8.000000000e+00, v2  }
0x159: {  	[tilespmem:s0+$0x40] =	vst v1;
	v1 =	vmul.f32 $8.000000000e+00, v3  }
0x15a: {  	v2 =	vmul.f32 $8.000000000e+00, v4;
	[tilespmem:s0+$0x50] =	vst v0  }
0x15b: {  	[tilespmem:s0+$0x60] =	vst v1  }
0x15c: {  	[tilespmem:s0+$0xFFFFFF80] =	vst v2  }
0x15d: {  	s0 =	rddreg [dreg:$0x6]  }
0x15e: {  	[hbm4b:s0+s3] =	stream.linear.scatter [tilespmem:s20], [sflag:$0x7], $0x2000, $0x38;
	[tilespmem:$0xE400] =	vst v63  }
0x15f: {  	_ =	swait.ge [sflag:s29], $0x2000  }
0x160: {  	[sflag:s29] =	ssyncset.done $0x0  }
0x161: {  	s0 =	simm.s32 $0xC480;
	[sflag:s29] =	ssyncadd.s32 $0xFFFFE000  }
0x162: {  	v0 =	vld [tilespmem:s0+$0x70]  }
0x163: {  	v1 =	vld [tilespmem:s0+$0xFFFFFF90]  }
0x164: {  	v2 =	vld [tilespmem:s0+$0xFFFFFFA0]  }
0x165: {  	v3 =	vld [tilespmem:s0+$0xFFFFFFB0]  }
0x166: {  	v4 =	vld [tilespmem:s0+$0xFFFFFFC0]  }
0x167: {  	v5 =	vld [tilespmem:s0+$0xFFFFFFD0];
	v0 =	vmul.f32 $8.000000000e+00, v0  }
0x168: {  	v6 =	vld [tilespmem:s0+$0xFFFFFFE0];
	v1 =	vmul.f32 $8.000000000e+00, v1  }
0x169: {  	v7 =	vld [tilespmem:s0+$0xFFFFFFF0];
	v2 =	vmul.f32 $8.000000000e+00, v2;
	[tilespmem:s0+$0x70] =	vst v0  }
0x16a: {  	[tilespmem:s0+$0xFFFFFF90] =	vst v1;
	v0 =	vmul.f32 $8.000000000e+00, v3;
	v3 =	vld [tilespmem:s0+$0x0]  }
0x16b: {  	[tilespmem:s0+$0xFFFFFFA0] =	vst v2;
	v1 =	vmul.f32 $8.000000000e+00, v4;
	v4 =	vld [tilespmem:s0+$0x10]  }
0x16c: {  	v8 =	vld [tilespmem:s0+$0x20];
	v2 =	vmul.f32 $8.000000000e+00, v5;
	[tilespmem:s0+$0xFFFFFFB0] =	vst v0  }
0x16d: {  	v5 =	vmul.f32 $8.000000000e+00, v6;
	[tilespmem:s0+$0xFFFFFFC0] =	vst v1;
	v0 =	vld [tilespmem:s0+$0x30]  }
0x16e: {  	v6 =	vmul.f32 $8.000000000e+00, v7;
	[tilespmem:s0+$0xFFFFFFD0] =	vst v2;
	v1 =	vld [tilespmem:s0+$0x40]  }
0x16f: {  	[tilespmem:s0+$0xFFFFFFE0] =	vst v5;
	v2 =	vld [tilespmem:s0+$0x50];
	v7 =	vmul.f32 $8.000000000e+00, v3  }
0x170: {  	[tilespmem:s0+$0xFFFFFFF0] =	vst v6;
	v3 =	vld [tilespmem:s0+$0x60];
	v5 =	vmul.f32 $8.000000000e+00, v4  }
0x171: {  	s6 =	simm.s32 $0x0;
	s7 =	simm.s32 $0xC580;
	v6 =	vmul.f32 $8.000000000e+00, v8;
	v4 =	vld [tilespmem:s0+$0xFFFFFF80];
	[tilespmem:s0+$0x0] =	vst v7  }
.LBB2_18:
0x172: {  	v7 =	vld [tilespmem:s7+$0x70];
	s6 =	sadd.s32 $0x4, s6;
	[tilespmem:s0+$0x10] =	vst v5;
	v0 =	vmul.f32 $8.000000000e+00, v0  }
0x173: {  	v5 =	vld [tilespmem:s7+$0xFFFFFF90];
	p0 =	slt.u32 s6, $0x7C;
	[tilespmem:s0+$0x20] =	vst v6;
	v1 =	vmul.f32 $8.000000000e+00, v1  }
0x174: {  	v6 =	vld [tilespmem:s7+$0xFFFFFFA0];
	[tilespmem:s0+$0x30] =	vst v0;
	v0 =	vmul.f32 $8.000000000e+00, v2  }
0x175: {  	v2 =	vld [tilespmem:s7+$0xFFFFFFB0];
	[tilespmem:s0+$0x40] =	vst v1;
	v1 =	vmul.f32 $8.000000000e+00, v3  }
0x176: {  	v3 =	vld [tilespmem:s7+$0xFFFFFFC0];
	v4 =	vmul.f32 $8.000000000e+00, v4;
	[tilespmem:s0+$0x50] =	vst v0  }
0x177: {  	v0 =	vld [tilespmem:s7+$0xFFFFFFD0];
	v7 =	vmul.f32 $8.000000000e+00, v7;
	[tilespmem:s0+$0x60] =	vst v1  }
0x178: {  	v1 =	vmul.f32 $8.000000000e+00, v5;
	v5 =	vld [tilespmem:s7+$0xFFFFFFE0];
	[tilespmem:s0+$0xFFFFFF80] =	vst v4;
	s0 =	smov.u32 s7  }
0x179: {  	v4 =	vmul.f32 $8.000000000e+00, v6;
	v6 =	vld [tilespmem:s7+$0xFFFFFFF0];
	[tilespmem:s7+$0x70] =	vst v7  }
0x17a: {  	[tilespmem:s7+$0xFFFFFF90] =	vst v1;
	v1 =	vmul.f32 $8.000000000e+00, v2;
	v2 =	vld [tilespmem:s7+$0x0]  }
0x17b: {  	[tilespmem:s7+$0xFFFFFFA0] =	vst v4;
	v3 =	vmul.f32 $8.000000000e+00, v3;
	v4 =	vld [tilespmem:s7+$0x10]  }
0x17c: {  	[tilespmem:s7+$0xFFFFFFB0] =	vst v1;
	v1 =	vmul.f32 $8.000000000e+00, v0;
	v7 =	vld [tilespmem:s7+$0x20]  }
.Ltmp8:
0x17d: {  	[tilespmem:s7+$0xFFFFFFC0] =	vst v3;
	v3 =	vmul.f32 $8.000000000e+00, v5;
	v0 =	vld [tilespmem:s7+$0x30];
	(pc) =	sbr.rel @p0 .LBB2_18-.Ltmp8, $4  }
0x17e: {  	[tilespmem:s7+$0xFFFFFFD0] =	vst v1;
	v5 =	vmul.f32 $8.000000000e+00, v6;
	v1 =	vld [tilespmem:s7+$0x40]  }
0x17f: {  	[tilespmem:s7+$0xFFFFFFE0] =	vst v3;
	v6 =	vmul.f32 $8.000000000e+00, v2;
	v2 =	vld [tilespmem:s7+$0x50]  }
0x180: {  	[tilespmem:s7+$0xFFFFFFF0] =	vst v5;
	v5 =	vmul.f32 $8.000000000e+00, v4;
	v3 =	vld [tilespmem:s7+$0x60]  }
0x181: {  	s7 =	sadd.s32 $0x100, s7;
	v4 =	vld [tilespmem:s0+$0xFFFFFF80];
	[tilespmem:s0+$0x0] =	vst v6;
	v6 =	vmul.f32 $8.000000000e+00, v7  }
0x182: {  	[tilespmem:s0+$0x10] =	vst v5;
	v0 =	vmul.f32 $8.000000000e+00, v0  }
0x183: {  	[tilespmem:s0+$0x20] =	vst v6;
	v1 =	vmul.f32 $8.000000000e+00, v1  }
0x184: {  	[tilespmem:s0+$0x30] =	vst v0;
	v61 =	vmul.f32 $8.000000000e+00, v2  }
0x185: {  	[tilespmem:s0+$0x40] =	vst v1;
	v62 =	vmul.f32 $8.000000000e+00, v3  }
0x186: {  	v63 =	vmul.f32 $8.000000000e+00, v4;
	[tilespmem:s0+$0x50] =	vst v61  }
0x187: {  	[tilespmem:s0+$0x60] =	vst v62  }
0x188: {  	[tilespmem:s0+$0xFFFFFF80] =	vst v63  }
0x189: {  	[hbm4b:s13+s3] =	stream.linear.scatter [tilespmem:s23], [sflag:$0x8], $0x2000, $0x38;
	[tilespmem:$0xE400] =	vst v63  }
0x18a: {  	_ =	swait.ge [sflag:s25], $0x2000  }
0x18b: {  	[sflag:s25] =	ssyncset.done $0x0  }
0x18c: {  	[sflag:s25] =	ssyncadd.s32 $0xFFFFE000  }
0x18d: {  	_ =	swait.ge [sflag:s28], $0x2000  }
0x18e: {  	[sflag:s28] =	ssyncset.done $0x0  }
0x18f: {  	s1 =	sadd.s32 $0x1, s1;
	[sflag:s28] =	ssyncadd.s32 $0xFFFFE000  }
0x190: {  	p0 =	sne.s32 s1, s14;
	_ =	swait.ge [sflag:s30], $0x2000  }
.Ltmp9:
0x191: {  	[sflag:s30] =	ssyncset.done $0x0;
	(pc) =	sbr.rel @p0 .LBB2_1-.Ltmp9, $4  }
0x192: {  	[sflag:s30] =	ssyncadd.s32 $0xFFFFE000  }
0x193: {  	_ =	swait.ge [sflag:s31], $0x2000  }
0x194: {  	[sflag:s31] =	ssyncset.done $0x0  }
0x195: {  	[sflag:s31] =	ssyncadd.s32 $0xFFFFE000  }
0x196: {  	_ =	sfence.sel $0x180000  }
0x197: {  	[bflag:$0x0] =	sbarrier.arrive $0xFFFF  }
0x198: {  	_ =	strace $0x90000047  }
0x199: {  	s0 =	stileid.u32;
	[bflag:$0x2] =	sbarrier.arrive $0xFFFF  }
0x19a: {  	p0 =	sne.s32 s0, $0x0;
	s0 =	rddreg [dreg:$0x2]  }
0x19b: {  	s0 =	sadd.s32 @!p0 $0x100000, s0  }
0x19c: {  	[sflag:s0] =	ssyncadd.tile.s32 @!p0 $0x1;
	_ =	shalt  }
.Lfunc_end2:
_tile_overlayer_lowered:
.L_overlay_start_2:
0x19d: {  	(tag) =	ssettag $0x2  }
0x19e: {  	s0 =	rddreg [dreg:$0x0];
	s2 =	stileid.u32  }
0x19f: {  	s1 =	rddreg [dreg:$0x1];
	p0 =	sne.s32 s2, $0x0  }
0x1a0: {  	s3 =	rddreg [dreg:$0x2];
	[bflag:$0x3] =	sbarrier.arrive $0xFFFF;
	s2 =	simm.s32 @!p0 $0x1C09  }
0x1a1: {  	[timem:s3], [sflag:s2] =	dma.local @!p0 [hbm:s0], s1  }
0x1a2: {  	s0 =	simm.s32 @!p0 $0x9  }
0x1a3: {  	_ =	swait.ge @!p0 [sflag:s0], s1  }
0x1a4: {  	s1 =	ssub.s32 @!p0 $0x0, s1;
	[sflag:s0] =	ssyncset.done @!p0 $0x0  }
0x1a5: {  	[sflag:s0] =	ssyncadd.s32 @!p0 s1  }
0x1a6: {  	[bflag:$0x3] =	sbarrier.arrive $0xFFFF  }
0x1a7: {  	_ =	shalt  }

// kernel: sparse-core-data-format-call.cloned.1.call-start
scs
called_computation_lowered:
.L_overlay_start_0:
0x0: {  	s2 =	sld [smem:$0x3FD9]  }
0x1: {  	s3 =	sld [smem:$0x3FFE];
	_ =	sdelay $0x1  }
0x2: {  	s1 =	srdreg.scid  }
0x3: {  	s0 =	sand.u32 $0x1, s1  }
0x4: {  	s18 =	sshll.u32 s0, $0xA;
	s2 =	sadd.s32 s3, s2  }
0x5: {  	s2 =	sadd.s32 s2, s18  }
0x6: {  	[smem:$0x3FC6] =	sst s2  }
0x7: {  	_ = 	snop  }
0x8: {  	s2 =	sld [smem:$0x3FD0];
	(tm) =	ssettm $0x1  }
0x9: {  	s19 =	sld [smem:$0x3FFB];
	_ =	sdelay $0x3  }
0xa: {  	_ =	strace s19  }
0xb: {  	s3 =	sld [smem:$0x3FFC];
	_ =	sdelay $0x3  }
0xc: {  	_ =	strace s3  }
0xd: {  	s3 =	sld [smem:$0x3FFD];
	_ =	sdelay $0x3  }
0xe: {  	_ =	strace s3  }
0xf: {  	_ =	strace $0x8FFFFFFF  }
0x10: {  	s20 =	sld [smem:$0x3FDB];
	_ =	sdelay $0x1  }
0x11: {  	s4 =	simm.s32 $_scs_section_size  }
0x12: {  	s5 =	simm.s32 $_size__tile_overlayer_lowered;
	s6 =	simm.s32 $_tile_overlayer_lowered  }
0x13: {  	s23 =	simm.s32 $0x1BFF;
	s22 =	sshll.u32 s6, $0x1;
	s3 =	sadd.s32 s4, s20  }
0x14: {  	s7 =	simm.s32 $0x0;
	s21 =	sshll.u32 s5, $0x1;
	s5 =	sadd.s32 s22, s3  }
0x15: {  	[timem:s7], [sflag:s23] =	dma.local [hbm:s5], s21  }
0x16: {  	_ =	swait.ge [sflag:s23], s21  }
0x17: {  	s4 =	ssub.s32 $0x0, s21;
	[sflag:s23] =	ssyncset.done $0x0  }
0x18: {  	[sflag:s23] =	ssyncadd.s32 s4;
	_ =	sdelay $0x1  }
0x19: {  	s24 =	simm.s32 $0x1B8B  }
0x1a: {  	_ =	swait.ge [sflag:s24], $0x1  }
0x1b: {  	[sflag:s24] =	ssyncset.done $0x0  }
0x1c: {  	s26 =	simm.s32 $0x1B8E;
	s25 =	sld [smem:$0x3FFE];
	[sflag:s24] =	ssyncadd.s32 $0xFFFFFFFF  }
0x1d: {  	s27 =	simm.s32 $execute0_lowered;
	[smem:$0x3FD2] =	sst s26  }
0x1e: {  	s5 =	sshll.u32 s27, $0x1;
	_ =	strace $0x80000049;
	[dreg:$0x1] =	wrdreg $0xFFFFFFFF  }
0x1f: {  	s28 =	simm.s32 $_size_execute0_lowered;
	s3 =	sadd.s32 s3, s5;
	[dreg:$0x0] =	wrdreg $0x0  }
0x20: {  	s5 =	sshll.u32 s28, $0x1;
	[dreg:$0x2] =	wrdreg s3  }
0x21: {  	[dreg:$0x3] =	wrdreg s5  }
0x22: {  	[dreg:$0x4] =	wrdreg $0xC0  }
0x23: {  	_ =	task [dreg:s7], $0x5FFFF  }
0x24: {  	[dreg:$0x1] =	wrdreg $0xFFFFFFFF  }
0x25: {  	[dreg:$0x0] =	wrdreg $0x60  }
0x26: {  	[dreg:$0x2] =	wrdreg s25  }
0x27: {  	[dreg:$0x3] =	wrdreg s2  }
0x28: {  	[dreg:$0x4] =	wrdreg $0x9  }
0x29: {  	_ =	task.clear_ibuf [dreg:s7], $0x5FFFF;
	_ =	strace $0x90000049  }
0x2a: {  	s29 =	simm.s32 $0x9;
	_ =	strace $0x8000004B  }
0x2b: {  	_ =	swait.ge [sflag:s29], $0x1  }
0x2c: {  	[sflag:s29] =	ssyncadd.s32 $0xFFFFFFFF  }
0x2d: {  	_ =	strace $0x9000004B  }
0x2e: {  	_ =	sfence  }
0x2f: {  	s30 =	sld [smem:$0x0];
	_ =	sdelay $0x2  }
0x30: {  	s31 =	sshll.u32 s1, $0xD;
	s1 =	sshrl.u32 s1, $0x2  }
0x31: {  	s3 =	sand.u32 $0x4000, s31;
	s1 =	sadd.s32 s1, s30  }
0x32: {  	s0 =	sor.u32 s3, s0;
	s1 =	sshll.u32 s1, $0x11  }
0x33: {  	s0 =	sor.u32 s1, s0  }
0x34: {  	s0 =	sadd.s32 $0x8F2B, s0  }
0x35: {  	[sflag:s0] =	ssyncadd.remote.s32 $0x1  }
0x36: {  	_ =	sfence.sel $0xFFFF  }
0x37: {  	[dreg:$0x0] =	wrdreg $0xFFFFFFFF;
	(pc) =	sbr.abs _section_cstart, $3  }
0x38: {  	[dreg:$0x1] =	wrdreg $0xFFFFFFFF  }
0x39: {  	_ =	task.clear_ibuf [dreg:s7], $0x2FFFF;
	_ =	strace $0x9FFFFFFF  }
0x3a: {  	(tm) =	ssettm $0x7FFFFFFF  }
0x3b: {  	_ =	shalt  }
tec
execute0_lowered:
.L_overlay_start_1:
0x0: {  	(tag) =	ssettag $0x1  }
0x1: {  	s0 =	srdreg.scid  }
0x2: {  	s1 =	sshll.u32 s0, $0x4  }
0x3: {  	s0 =	stileid.u32;
	s1 =	sand.u32 $0x10, s1  }
0x4: {  	s1 =	sor.u32 s0, s1  }
0x5: {  	s6 =	rddreg [dreg:$0x0];
	s4 =	simm.s32 $0x1;
	s2 =	sshll.u32 s1, $0x7  }
0x6: {  	s7 =	simm.s32 $0x2;
	s12 =	simm.s32 $0x0;
	s1 =	ssub.s32 $0x1000, s2  }
0x7: {  	s8 =	simm.s32 $0x8000;
	s13 =	simm.s32 $0x0;
	s3 =	sand.u32 $0xF80, s1  }
0x8: {  	s9 =	simm.s32 $0x0;
	s5 =	sshrl.u32 s1, $0xC;
	p0 =	sne.s32 s3, $0x0  }
.Ltmp0:
0x9: {  	s1 =	rddreg [dreg:$0x2];
	s4 =	simm.s32 @!p0 $0x0;
	(pc) =	sbr.rel .LBB1_1-.Ltmp0, $4  }
0xa: {  	s11 =	simm.s32 $0x0;
	s3 =	rddreg [dreg:$0x1];
	s5 =	sadd.s32 s4, s5  }
0xb: {  	_ =	strace $0x8000004A;
	s4 =	simm.s32 $0x1;
	s5 =	smul.u32 $0xC8, s5  }
0xc: {  	s6 =	sadd.s32 $0xA00, s6;
	s10 =	smov.u32 s2;
	[sflag:s4] =	ssyncpa.u1 $0x0  }
0xd: {  	p0 =	por $0x0, $0x0;
	[sflag:s7] =	ssyncpa.u1 $0x0;
	s7 =	sor.u32 $0x1, s5  }
.LBB1_4:
0xe: {  	s16 =	sshll.u32 s13, $0x3;
	s17 =	sand.u32 $0x78, s13  }
0xf: {  	s30 =	sand.u32 $0x7E00, s13;
	s12 =	sshll.u32 s12, $0xF;
	s16 =	sand.u32 $0xC00, s16  }
0x10: {  	[tilespmem:s15+$0x810 ss:$0x81] =	vst.msk $0xffff, v2;
	s31 =	sand.u32 $0x7, s13;
	s16 =	sor.u32 s17, s16;
	s17 =	sadd.s32 s3, s30  }
0x11: {  	[tilespmem:s15+$0x1020 ss:$0x81] =	vst.msk $0xffff, v0;
	s13 =	sshll.u32 s31, $0x12;
	s12 =	sadd.s32 s12, s17;
	s16 =	sshrl.u32 s16, $0x3  }
0x12: {  	[tilespmem:s15+$0x0 ss:$0x81] =	vst.msk $0xffff, v1;
	s13 =	sor.u32 $0x400, s13;
	s12 =	sadd.s32 s16, s12  }
0x13: {  	[hbm4b:s12+s13] =	stream.strided.scatter [tilespmem:s14], [sflag:$0x2], $0x2000, s8, s13, $0x20;
	[tilespmem:$0x8080] =	vst v63  }
.LBB1_5:
0x14: {  	s14 =	sadd.s32 $0x1, s9  }
0x15: {  	s12 =	sadd.s32 $0x1000, s10;
	s16 =	smov.u32 s10;
	p2 =	sgt.s32 s14, $0xC7  }
0x16: {  	s16 =	smov.u32 @p2 s12  }
0x17: {  	s14 =	simm.s32 @p2 $0x0;
	p2 =	sgt.s32 s16, $0xFFF  }
0x18: {  	s16 =	smov.u32 @p2 s2;
	p2 =	sne.s32 s11, s7  }
.Ltmp1:
0x19: {  	p1 =	slt.u32 s11, $0x2;
	(pc) =	sbr.rel @!p2 .LBB1_6-.Ltmp1, $4  }
0x1a: {  	s15 =	simm.s32 @!p1 $0x2  }
0x1b: {  	s13 =	smov.u32 s10;
	p0 =	por !p0, !p0;
	_ =	swait.ge @!p1 [sflag:s15], $0x2000  }
0x1c: {  	s12 =	smov.u32 s9;
	[sflag:s15] =	ssyncset.done @!p1 $0x0;
	s9 =	smov.u32 s14  }
0x1d: {  	s11 =	sadd.s32 $0x1, s11;
	[sflag:s15] =	ssyncadd.s32 @!p1 $0xFFFFE000;
	s10 =	smov.u32 s16  }
.LBB1_1:
0x1e: {  	p1 =	sge.u32 s11, s5  }
0x1f: {  	s14 =	sand.u32 @!p1 $0x1FFFFFF, s9  }
0x20: {  	s15 =	smulhi.u32 @!p1 $0x147AE15, s14;
	_ =	sdelay $0x1  }
0x21: {  	s15 =	smul.u32 @!p1 $0xC8, s15  }
0x22: {  	s16 =	sxor.u32 @!p1 $0xFFFFFFFF, s11;
	s17 =	smul.u32 @!p1 $0xC80, s10  }
0x23: {  	s31 =	sadd.s32 $0xFFFFFFFF, s11;
	s16 =	sshll.u32 @!p1 s16, $0xD;
	s14 =	ssub.s32 @!p1 s14, s15  }
0x24: {  	s15 =	sand.u32 @!p1 $0x2000, s16;
	s16 =	sadd.s32 @!p1 s6, s17;
	s14 =	sshll.u32 @!p1 s14, $0x4  }
0x25: {  	s17 =	simm.s32 @!p1 $0x6400;
	s14 =	sadd.s32 @!p1 s14, s16;
	s16 =	simm.s32 @!p1 $0x40  }
0x26: {  	[tilespmem:s15], [sflag:$0x1] =	stream.strided.gather @!p1 [hbm4b:s14+s16], $0x2000, s17, s16, $0x38;
	[tilespmem:$0x8080] =	vst v63  }
0x27: {  	p1 =	sge.u32 s31, s5  }
.Ltmp2:
0x28: {  	_ = 	snop;
	(pc) =	sbr.rel @p1 .LBB1_5-.Ltmp2, $1  }
0x29: {  	_ =	sdelay $0x3  }
0x2a: {  	s14 =	simm.s32 $0x1  }
0x2b: {  	_ =	swait.ge [sflag:s4], $0x2000;
	s14 =	simm.s32 @!p0 $0x0  }
0x2c: {  	[sflag:s4] =	ssyncset.done $0x0;
	s15 =	sshll.u32 s14, $0xD  }
0x2d: {  	[sflag:s4] =	ssyncadd.s32 $0xFFFFE000;
	s18 =	sor.u32 $0x20, s15  }
0x2e: {  	s14 =	smul.u32 $0x8100, s14;
	v3 =	vld [tilespmem:s18+$0x10]  }
0x2f: {  	s30 =	sand.u32 $0x1, s11;
	v2 =	vld [tilespmem:s18+$0xFFFFFFF0]  }
0x30: {  	s15 =	smul.u32 $0x8100, s30;
	s14 =	sshrl.u32 s14, $0x2;
	v0 =	vld [tilespmem:s18+$0x0]  }
0x31: {  	v1 =	vld [tilespmem:s18+$0xFFFFFFE0];
	s16 =	sor.u32 $0x4000, s14  }
0x32: {  	s31 =	sshrl.u32 s15, $0x2;
	s15 =	sadd.s32 $0x0, s16  }
0x33: {  	s17 =	simm.s32 $0x4;
	s18 =	sadd.s32 $0x40, s18;
	s14 =	sor.u32 $0x4000, s31;
	[tilespmem:s15+$0x1830 ss:$0x81] =	vst.msk $0xffff, v3  }
.LBB1_3:
0x34: {  	v3 =	vld [tilespmem:s18+$0x10];
	p1 =	sne.s32 s17, $0x1FC;
	[tilespmem:s15+$0x810 ss:$0x81] =	vst.msk $0xffff, v2;
	s19 =	smov.u32 s17;
	s17 =	sadd.s32 $0x4, s17  }
.Ltmp3:
0x35: {  	v2 =	vld [tilespmem:s18+$0xFFFFFFF0];
	[tilespmem:s15+$0x1020 ss:$0x81] =	vst.msk $0xffff, v0;
	(pc) =	sbr.rel @p1 .LBB1_3-.Ltmp3, $4  }
0x36: {  	v0 =	vld [tilespmem:s18+$0x0];
	[tilespmem:s15+$0x0 ss:$0x81] =	vst.msk $0xffff, v1  }
0x37: {  	s15 =	sshra.s32 s19, $0x2;
	v1 =	vld [tilespmem:s18+$0xFFFFFFE0]  }
0x38: {  	s15 =	sadd.s32 s15, s16  }
0x39: {  	s18 =	sadd.s32 $0x40, s18;
	[tilespmem:s15+$0x1830 ss:$0x81] =	vst.msk $0xffff, v3  }
.Ltmp4:
0x3a: {  	_ = 	snop;
	(pc) =	sbr.rel .LBB1_4-.Ltmp4, $1  }
0x3b: {  	_ =	sdelay $0x3  }
.LBB1_6:
0x3c: {  	_ =	sfence.sel $0x180000  }
0x3d: {  	s2 =	simm.s32 $0x1;
	[bflag:$0x0] =	sbarrier.arrive $0xFFFF  }
0x3e: {  	s31 =	simm.s32 $0x2;
	[sflag:s2] =	ssyncpa.u1 $0x1  }
0x3f: {  	[sflag:s31] =	ssyncpa.u1 $0x1  }
0x40: {  	p0 =	sne.s32 s0, $0x0;
	_ =	strace $0x9000004A  }
0x41: {  	s0 =	sadd.s32 @!p0 $0x100000, s1;
	[bflag:$0x2] =	sbarrier.arrive $0xFFFF  }
0x42: {  	[sflag:s0] =	ssyncadd.tile.s32 @!p0 $0x1;
	_ =	shalt  }
.Lfunc_end1:
_tile_overlayer_lowered:
.L_overlay_start_2:
0x43: {  	(tag) =	ssettag $0x2  }
0x44: {  	s0 =	rddreg [dreg:$0x0];
	s2 =	stileid.u32  }
0x45: {  	s1 =	rddreg [dreg:$0x1];
	p0 =	sne.s32 s2, $0x0  }
0x46: {  	s3 =	rddreg [dreg:$0x2];
	[bflag:$0x3] =	sbarrier.arrive $0xFFFF;
	s2 =	simm.s32 @!p0 $0x1C01  }
0x47: {  	[timem:s3], [sflag:s2] =	dma.local @!p0 [hbm:s0], s1  }
0x48: {  	s0 =	simm.s32 @!p0 $0x1  }
0x49: {  	_ =	swait.ge @!p0 [sflag:s0], s1  }
0x4a: {  	s1 =	ssub.s32 @!p0 $0x0, s1;
	[sflag:s0] =	ssyncset.done @!p0 $0x0  }
0x4b: {  	[sflag:s0] =	ssyncadd.s32 @!p0 s1  }
0x4c: {  	[bflag:$0x3] =	sbarrier.arrive $0xFFFF  }
0x4d: {  	_ =	shalt  }

</sc_bundles>
